<compile_context>
chip_gen: v7x
topology: tpu7x:2x2x1
jax: 0.10.2.dev20260603
libtpu: 0.0.44.dev20260713+nightly
codegen_flags: <defaults>
</compile_context>

<pallas_src>
import functools

import jax
import jax.numpy as jnp
from jax import lax
from jax.experimental import pallas as pl
from jax.experimental.pallas import tpu as pltpu
from jax.experimental.pallas import tpu_sc as plsc

N = 10000
E = 320000
NTILES = 32
E32 = E // NTILES
NBKT = 4
CHUNK = 2500
CPAD = 2560
CAP = 11056
PAD = 1056
NPAD = 10240


def _bucket_body(esrc_ref, edst_ref, counts_ref, pkb_ref, deg_ref,
                 src_v, dst_v, bp_v, dego_v, degi_v, cnt_stage):
    c = lax.axis_index("c")
    t = lax.axis_index("s")
    w = c * 16 + t
    GB = 2000
    zf = jnp.zeros((16,), jnp.float32)
    zi = jnp.zeros((16,), jnp.int32)
    ones = jnp.ones((16,), jnp.float32)

    def zero_deg(i, _):
        dego_v[pl.ds(i * 16, 16)] = zf
        degi_v[pl.ds(i * 16, 16)] = zf
        return 0

    lax.fori_loop(0, NPAD // 16, zero_deg, 0)

    def group(gi, cnts):
        base = w * E32 + gi * GB
        pltpu.sync_copy(esrc_ref.at[pl.ds(base, GB)], src_v)
        pltpu.sync_copy(edst_ref.at[pl.ds(base, GB)], dst_v)

        def vec(k, cnts):
            sv = src_v[pl.ds(k * 16, 16)]
            dv = dst_v[pl.ds(k * 16, 16)]
            plsc.addupdate_scatter(dego_v, [sv], ones)
            plsc.addupdate_scatter(degi_v, [dv], ones)
            bkt = dv // CHUNK
            pv = sv | (dv << 14)
            new = []
            for b in range(NBKT):
                m = bkt == b
                cur = b * CAP + cnts[b]
                plsc.store_compressed(bp_v.at[pl.ds(cur, 16)], pv, mask=m)
                new.append(cnts[b] + jnp.sum(m.astype(jnp.int32)))
            return tuple(new)

        return lax.fori_loop(0, GB // 16, vec, cnts)

    z = jnp.zeros((), jnp.int32)
    cnts = lax.fori_loop(0, E32 // GB, group, (z, z, z, z))

    sent = jnp.full((16,), N << 14, jnp.int32)
    for b in range(NBKT):
        def padw(p, _, b=b):
            bp_v[pl.ds(b * CAP + cnts[b] + p * 16, 16)] = sent
            return 0
        lax.fori_loop(0, PAD // 16, padw, 0)

    io = lax.iota(jnp.int32, 16)
    cv = jnp.where(io == 0, cnts[0],
                   jnp.where(io == 1, cnts[1],
                             jnp.where(io == 2, cnts[2],
                                       jnp.where(io == 3, cnts[3], 0))))
    cnt_stage[...] = cv
    pltpu.sync_copy(cnt_stage, counts_ref.at[pl.ds(c * 256 + t * 16, 16)])
    regbase = (c * 16 + t) * (NBKT * CAP)
    pltpu.sync_copy(bp_v, pkb_ref.at[pl.ds(regbase, NBKT * CAP)])
    dbase = (c * 16 + t) * 2 * NPAD
    pltpu.sync_copy(dego_v, deg_ref.at[pl.ds(dbase, NPAD)])
    pltpu.sync_copy(degi_v, deg_ref.at[pl.ds(dbase + NPAD, NPAD)])


@jax.jit
def _bucket(esrc, edst):
    mesh = plsc.VectorSubcoreMesh(core_axis_name="c", subcore_axis_name="s")
    f = pl.kernel(
        _bucket_body,
        out_type=(
            jax.ShapeDtypeStruct((512,), jnp.int32),
            jax.ShapeDtypeStruct((32 * NBKT * CAP,), jnp.int32),
            jax.ShapeDtypeStruct((32 * 2 * NPAD,), jnp.float32),
        ),
        mesh=mesh,
        compiler_params=pltpu.CompilerParams(needs_layout_passes=False, use_tc_tiling_on_sc=False),
        scratch_types=[
            pltpu.VMEM((2000,), jnp.int32),
            pltpu.VMEM((2000,), jnp.int32),
            pltpu.VMEM((NBKT * CAP,), jnp.int32),
            pltpu.VMEM((NPAD,), jnp.float32),
            pltpu.VMEM((NPAD,), jnp.float32),
            pltpu.VMEM((16,), jnp.int32),
        ],
    )
    return f(esrc, edst)


def _make_spmm(Dp, att, nheads, ncols):
    NQ = Dp // 16
    if Dp >= 640:
        SROWS, GATB = 80, 32
    elif Dp >= 384:
        SROWS, GATB = 160, 32
    else:
        SROWS, GATB = 320, 128
    if att:
        used = -(-ncols // 16)
        actq = tuple((q, q // 8) for q in range(NQ) if q % 8 < used)
    else:
        actq = tuple((q, 0) for q in range(-(-ncols // 16)))
    SPB = CPAD // SROWS
    NPASS = (NBKT * SPB) // 32
    GBS = 512
    PCAP = GBS + 3 * GATB + 64

    def body(*refs):
        if att:
            (table, pkb, counts, erp, out, s_out,
             acc, s_acc, er_v, pk_v, pend_p,
             rows0, rows1, rows2, idx0, idx1, idx2,
             cnt_v, sem0, sem1, sem2) = refs
        else:
            (table, pkb, counts, out,
             acc, pk_v, pend_p,
             rows0, rows1, rows2, idx0, idx1, idx2,
             cnt_v, sem0, sem1, sem2) = refs

        c = lax.axis_index("c")
        t = lax.axis_index("s")
        w = c * 16 + t
        pltpu.sync_copy(counts, cnt_v)
        zf = jnp.zeros((16,), jnp.float32)
        io16 = lax.iota(jnp.int32, 16)
        sent = jnp.full((16,), SROWS << 14, jnp.int32)

        for p in range(NPASS):
            s0 = p * 32 + w
            bkt = s0 // SPB
            slo = (s0 - bkt * SPB) * SROWS
            base = bkt * CHUNK + slo

            def zacc(r, _):
                for q in range(NQ):
                    acc[r, pl.ds(q * 16, 16)] = zf
                if att:
                    s_acc[r, pl.ds(0, 16)] = zf
                return 0

            lax.fori_loop(0, SROWS + 2, zacc, 0)
            if att:
                pltpu.sync_copy(erp.at[pl.ds(s0 * SROWS, SROWS)],
                                er_v.at[pl.ds(0, SROWS)])

            def arows(rows, st):
                def arow(r, _):
                    dl = pend_p[pl.ds(st + r, 16)][0] >> 14
                    if att:
                        rv = er_v[dl, pl.ds(0, 16)]
                        ev = jnp.zeros((16,), jnp.float32)
                        for hh in range(nheads):
                            elv = rows[r, pl.ds(128 * hh + 112, 16)]
                            ev = jnp.where(io16 == hh, elv[0], ev)
                        e = ev + rv
                        wv = jnp.exp(jnp.where(e > 0, e, 0.2 * e))
                        s_acc[dl, pl.ds(0, 16)] = (
                            s_acc[dl, pl.ds(0, 16)] + wv)
                        wbs = [jnp.zeros((16,), jnp.float32) + wv[hh]
                               for hh in range(nheads)]
                        for q, hq in actq:
                            acc[dl, pl.ds(q * 16, 16)] = (
                                acc[dl, pl.ds(q * 16, 16)]
                                + rows[r, pl.ds(q * 16, 16)] * wbs[hq])
                    else:
                        for q, _hq in actq:
                            acc[dl, pl.ds(q * 16, 16)] = (
                                acc[dl, pl.ds(q * 16, 16)]
                                + rows[r, pl.ds(q * 16, 16)])
                    return 0

                lax.fori_loop(0, GATB, arow, 0)

            def mkidx(st, idxb):
                for kk in range(GATB // 16):
                    idxb[pl.ds(kk * 16, 16)] = (
                        pend_p[pl.ds(st + kk * 16, 16)] & 0x3FFF)

            def fire3(i, _):
                st0 = 3 * i * GATB
                mkidx(st0, idx0)
                mkidx(st0 + GATB, idx1)
                mkidx(st0 + 2 * GATB, idx2)
                d0 = pltpu.async_copy(table.at[idx0], rows0, sem0)
                d1 = pltpu.async_copy(table.at[idx1], rows1, sem1)
                d2 = pltpu.async_copy(table.at[idx2], rows2, sem2)
                d0.wait()
                arows(rows0, st0)
                d1.wait()
                arows(rows1, st0 + GATB)
                d2.wait()
                arows(rows2, st0 + 2 * GATB)
                return 0

            def run_tail(trips):
                def pb1(i, _):
                    mkidx(i * GATB, idx0)
                    pltpu.async_copy(table.at[idx0], rows0, sem0).wait()
                    arows(rows0, i * GATB)
                    return 0

                lax.fori_loop(0, trips, pb1, 0)

            def region(reg, pcnt):
                v16 = cnt_v[pl.ds(reg * 16, 16)]
                n = jnp.sum(jnp.where(io16 == bkt, v16, 0))
                gtrips = (n + GBS - 1) // GBS

                def grp(gi, pcnt):
                    off = reg * (NBKT * CAP) + bkt * CAP + gi * GBS
                    pltpu.sync_copy(pkb.at[pl.ds(off, GBS)], pk_v)

                    def cvec(k, pcnt):
                        pv = pk_v[pl.ds(k * 16, 16)]
                        dl = (pv >> 14) - base
                        m = (dl >= 0) & (dl < SROWS)
                        rp = (pv & 0x3FFF) | (dl << 14)
                        plsc.store_compressed(
                            pend_p.at[pl.ds(pcnt, 16)], rp, mask=m)
                        return pcnt + jnp.sum(m.astype(jnp.int32))

                    pcnt = lax.fori_loop(0, GBS // 16, cvec, pcnt)
                    nfire = (pcnt // GATB) // 3
                    lax.fori_loop(0, nfire, fire3, 0)
                    done = nfire * (3 * GATB)
                    rem = pcnt - done
                    for kk in range(3 * GATB // 16):
                        ts = pend_p[pl.ds(done + kk * 16, 16)]
                        pend_p[pl.ds(kk * 16, 16)] = ts
                    return rem

                return lax.fori_loop(0, gtrips, grp, pcnt)

            pcnt = lax.fori_loop(0, 32, region, jnp.zeros((), jnp.int32))
            for kk in range(GATB // 16 + 1):
                pend_p[pl.ds(pcnt + kk * 16, 16)] = sent
            run_tail((pcnt + GATB - 1) // GATB)
            pltpu.sync_copy(acc.at[pl.ds(0, SROWS)],
                            out.at[pl.ds(s0 * SROWS, SROWS)])
            if att:
                pltpu.sync_copy(s_acc.at[pl.ds(0, SROWS)],
                                s_out.at[pl.ds(s0 * SROWS, SROWS)])

    mesh = plsc.VectorSubcoreMesh(core_axis_name="c", subcore_axis_name="s")
    outs = [jax.ShapeDtypeStruct((NBKT * CPAD, Dp), jnp.float32)]
    scratch = [
        pltpu.VMEM((SROWS + 2, Dp), jnp.float32),
    ]
    if att:
        outs.append(jax.ShapeDtypeStruct((NBKT * CPAD, 16), jnp.float32))
        scratch += [
            pltpu.VMEM((SROWS + 2, 16), jnp.float32),
            pltpu.VMEM((SROWS + 2, 16), jnp.float32),
        ]
    scratch += [
        pltpu.VMEM((GBS,), jnp.int32),
        pltpu.VMEM((PCAP,), jnp.int32),
        pltpu.VMEM((GATB, Dp), jnp.float32),
        pltpu.VMEM((GATB, Dp), jnp.float32),
        pltpu.VMEM((GATB, Dp), jnp.float32),
        pltpu.VMEM((GATB,), jnp.int32),
        pltpu.VMEM((GATB,), jnp.int32),
        pltpu.VMEM((GATB,), jnp.int32),
        pltpu.VMEM((512,), jnp.int32),
        pltpu.SemaphoreType.DMA,
        pltpu.SemaphoreType.DMA,
        pltpu.SemaphoreType.DMA,
    ]
    return pl.kernel(body, out_type=tuple(outs), mesh=mesh,
                     compiler_params=pltpu.CompilerParams(
                         needs_layout_passes=False,
                         use_tc_tiling_on_sc=False),
                     scratch_types=scratch)


@functools.partial(jax.jit, static_argnums=(4, 5, 6))
def _spmm(table, pkb, counts, erp, Dp, nheads, ncols):
    att = erp is not None
    f = _make_spmm(Dp, att, nheads, ncols)
    if att:
        o, sden = f(table, pkb, counts, erp)
        return o, sden
    return f(table, pkb, counts)[0], None


def _unchunk(o, cols):
    return o.reshape(NBKT, CPAD, -1)[:, :CHUNK, :].reshape(
        NBKT * CHUNK, -1)[:N, :cols]


def _mm_body(x_ref, w_ref, o_ref):
    o_ref[...] = jnp.dot(x_ref[...], w_ref[...],
                         preferred_element_type=jnp.float32)


def _mm(x, w):
    m, k = x.shape
    cols = w.shape[1]
    blk = 1024
    return pl.pallas_call(
        _mm_body,
        grid=(m // blk,),
        in_specs=[pl.BlockSpec((blk, k), lambda i: (i, 0)),
                  pl.BlockSpec((k, cols), lambda i: (0, 0))],
        out_specs=pl.BlockSpec((blk, cols), lambda i: (i, 0)),
        out_shape=jax.ShapeDtypeStruct((m, cols), jnp.float32),
    )(x, w)


def _head_body(cat_ref, wf1_ref, bf1_ref, wf2_ref, bf2_ref, out_ref):
    h = jnp.dot(cat_ref[...], wf1_ref[...],
                preferred_element_type=jnp.float32) + bf1_ref[...]
    h = jnp.where(h > 0, h, 0.25 * h)
    out_ref[...] = jnp.dot(h, wf2_ref[...],
                           preferred_element_type=jnp.float32) + bf2_ref[...]


def _head(cat, Wf1, bf1, Wf2, bf2):
    n = cat.shape[0]
    blk = 2000
    return pl.pallas_call(
        _head_body,
        grid=(n // blk,),
        in_specs=[pl.BlockSpec((blk, cat.shape[1]), lambda i: (i, 0)),
                  pl.BlockSpec(Wf1.shape, lambda i: (0, 0)),
                  pl.BlockSpec(bf1.shape, lambda i: (0,)),
                  pl.BlockSpec(Wf2.shape, lambda i: (0, 0)),
                  pl.BlockSpec(bf2.shape, lambda i: (0,))],
        out_specs=pl.BlockSpec((blk, Wf2.shape[1]), lambda i: (i, 0)),
        out_shape=jax.ShapeDtypeStruct((n, Wf2.shape[1]), jnp.float32),
    )(cat, Wf1, bf1, Wf2, bf2)


def _chunkgrid(a):
    return jnp.concatenate(
        [a[bb * CHUNK:bb * CHUNK + CPAD] for bb in range(NBKT)])


def _padrows(a):
    return jnp.pad(a, ((0, NPAD - a.shape[0]), (0, 0)))


def _padcols(a, c):
    return jnp.pad(a, ((0, 0), (0, c - a.shape[1])))


def kernel(x, edge_index, W1g, al1, ar1, b1, rW1, W2g, al2, ar2, b2, rW2,
           Wc1, bc1, Wc2, bc2, Wc3, bc3, Wf1, bf1, Wf2, bf2):
    counts, pkb, deg = _bucket(edge_index[0], edge_index[1])
    deg2 = deg.reshape(32, 2, NPAD)
    deg_out = deg2[:, 0].sum(axis=0)[:N]
    deg_in = deg2[:, 1].sum(axis=0)[:N]
    norm_s = jnp.where(deg_out > 0, deg_out, 1.0) ** -0.5
    norm_d = jnp.where(deg_in > 0, deg_in, 1.0) ** -0.5
    norm_sp = jnp.pad(norm_s, (0, NPAD - N))

    W1g3 = W1g.reshape(128, 5, 100)
    W1gp = jnp.pad(W1g3, ((0, 0), (0, 0), (0, 28)))
    W1gp = W1gp.at[:, :, 112].set((W1g3 * al1[None]).sum(-1))
    W1gp = W1gp.reshape(128, 640)
    Wer1 = _padcols((W1g3 * ar1[None]).sum(-1), 16)
    Wc1p = _padcols(Wc1, 384)
    big1 = _mm(_padrows(x), jnp.concatenate(
        [W1gp, rW1, Wer1, Wc1p], axis=1))
    feat1p = big1[:, :640]
    res1 = big1[:N, 640:1140].reshape(N, 5, 100)
    erp1 = _chunkgrid(big1[:, 1140:1156])
    tc1 = big1[:, 1156:1540] * norm_sp[:, None]

    rst1c, s1p = _spmm(feat1p, pkb, counts, erp1, 640, 5, 100)
    rst1 = _unchunk(rst1c, 640).reshape(N, 5, 128)[:, :, :100]
    s1 = _unchunk(s1p, 5)
    h = rst1 / (s1[:, :, None] + 1e-9) + res1 + b1[None]
    h = jax.nn.elu(h).reshape(N, 500)

    W2gp = jnp.pad(W2g, ((0, 0), (0, 64)))
    W2gp = W2gp.at[:, 112].set(W2g @ al2[0])
    Wer2 = _padcols((W2g @ ar2[0])[:, None], 16)
    big2 = _mm(_padrows(h), jnp.concatenate([W2gp, rW2, Wer2], axis=1))
    feat2 = big2[:, :128]
    res2 = big2[:N, 128:192]
    erp2 = _chunkgrid(big2[:, 192:208])

    rst2c, s2p = _spmm(feat2, pkb, counts, erp2, 128, 1, 64)
    rst2 = _unchunk(rst2c, 64)
    s2 = _unchunk(s2p, 1)
    x_gat = rst2 / (s2 + 1e-9) + res2 + b2[0][None]

    agg1, _ = _spmm(tc1, pkb, counts, None, 384, 0, 300)
    g1 = jax.nn.relu(_unchunk(agg1, 300) * norm_d[:, None] + bc1)
    tc2 = _mm(_padrows(g1), _padcols(Wc2, 128)) * norm_sp[:, None]
    agg2, _ = _spmm(tc2, pkb, counts, None, 128, 0, 100)
    g2 = jax.nn.relu(_unchunk(agg2, 100) * norm_d[:, None] + bc2)
    tc3 = _mm(_padrows(g2), _padcols(Wc3, 128)) * norm_sp[:, None]
    agg3, _ = _spmm(tc3, pkb, counts, None, 128, 0, 64)
    x_gcn = _unchunk(agg3, 64) * norm_d[:, None] + bc3

    cat = jnp.concatenate([x_gat, x_gcn], axis=1)
    return _head(cat, Wf1, bf1, Wf2, bf2)

# --- scband reference (transcript-rebuilt; emitter-appended) ---
"""Pipeline reference for scband-monet-50156628082755 (READ-ONLY COPY).

The authoritative reference and input builder live on the scoring server;
editing this copy changes nothing except your own understanding.
"""

import jax, jax.numpy as jnp
import numpy as np

N = 10000
E = 320000
IN_DIM = 128
HID_GAT = 100
H1 = 5
H2 = 1
HID1_GCN = 300
HID2_GCN = 100
OUT_DIM = 64
HMONET = 256


def _gat_layer(h, src, dst, W, al, ar, b, rW, H, O):
    n = h.shape[0]
    feat = (h @ W).reshape(n, H, O)
    el = jnp.sum(feat * al[None], axis=-1)
    er = jnp.sum(feat * ar[None], axis=-1)
    e = jax.nn.leaky_relu(el[src] + er[dst], 0.2)
    m = jax.ops.segment_max(e, dst, num_segments=n)
    ex = jnp.exp(e - m[dst])
    s = jax.ops.segment_sum(ex, dst, num_segments=n)
    alpha = ex / (s[dst] + 1e-9)
    rst = jax.ops.segment_sum(feat[src] * alpha[:, :, None], dst, num_segments=n)
    res = (h @ rW).reshape(n, H, O)
    return rst + res + b[None]


def _gcn_layer(h, src, dst, W, b):
    n = h.shape[0]
    ones = jnp.ones(src.shape[0], jnp.float32)
    deg_out = jax.ops.segment_sum(ones, src, num_segments=n)
    deg_in = jax.ops.segment_sum(ones, dst, num_segments=n)
    norm_s = jnp.where(deg_out > 0, deg_out, 1.0) ** -0.5
    norm_d = jnp.where(deg_in > 0, deg_in, 1.0) ** -0.5
    h = h @ W
    msg = h[src] * norm_s[src][:, None]
    agg = jax.ops.segment_sum(msg, dst, num_segments=n)
    return agg * norm_d[:, None] + b


def _monet(x, edge_index, W1g, al1, ar1, b1, rW1, W2g, al2, ar2, b2, rW2, Wc1, bc1, Wc2, bc2, Wc3, bc3, Wf1, bf1, Wf2, bf2):
    src = edge_index[0]
    dst = edge_index[1]
    # GAT branch (dropout layers are identity at inference)
    h = _gat_layer(x, src, dst, W1g, al1, ar1, b1, rW1, H1, HID_GAT)
    h = jax.nn.elu(h).reshape(x.shape[0], -1)
    h = _gat_layer(h, src, dst, W2g, al2, ar2, b2, rW2, H2, OUT_DIM)
    x_gat = h.mean(axis=1)
    # GCN branch
    g = jax.nn.relu(_gcn_layer(x, src, dst, Wc1, bc1))
    g = jax.nn.relu(_gcn_layer(g, src, dst, Wc2, bc2))
    x_gcn = _gcn_layer(g, src, dst, Wc3, bc3)
    # head
    cat = jnp.concatenate([x_gat, x_gcn], axis=1)
    hfc = jax.nn.leaky_relu(cat @ Wf1 + bf1, 0.25)
    out = hfc @ Wf2 + bf2
    return out


def setup_inputs(seed: int = 0):
    key = jax.random.key(seed)
    ks = jax.random.split(key, 24)
    def nrm(k, shape, scale=0.05):
        return jax.random.normal(k, shape, dtype=jnp.float32) * scale
    inp = {}
    inp['x'] = jax.random.normal(ks[0], (N, IN_DIM), dtype=jnp.float32)
    inp['edge_index'] = jax.random.randint(ks[1], (2, E), 0, N, dtype=jnp.int32)
    inp['W1g'] = nrm(ks[2], (IN_DIM, H1 * HID_GAT))
    inp['al1'] = nrm(ks[3], (H1, HID_GAT))
    inp['ar1'] = nrm(ks[4], (H1, HID_GAT))
    inp['b1'] = jnp.zeros((H1, HID_GAT), jnp.float32)
    inp['rW1'] = nrm(ks[5], (IN_DIM, H1 * HID_GAT))
    inp['W2g'] = nrm(ks[6], (H1 * HID_GAT, OUT_DIM))
    inp['al2'] = nrm(ks[7], (H2, OUT_DIM))
    inp['ar2'] = nrm(ks[8], (H2, OUT_DIM))
    inp['b2'] = jnp.zeros((H2, OUT_DIM), jnp.float32)
    inp['rW2'] = nrm(ks[9], (H1 * HID_GAT, OUT_DIM))
    inp['Wc1'] = nrm(ks[10], (IN_DIM, HID1_GCN))
    inp['bc1'] = jnp.zeros((HID1_GCN,), jnp.float32)
    inp['Wc2'] = nrm(ks[11], (HID1_GCN, HID2_GCN))
    inp['bc2'] = jnp.zeros((HID2_GCN,), jnp.float32)
    inp['Wc3'] = nrm(ks[12], (HID2_GCN, OUT_DIM))
    inp['bc3'] = jnp.zeros((OUT_DIM,), jnp.float32)
    inp['Wf1'] = nrm(ks[13], (2 * OUT_DIM, HMONET))
    inp['bf1'] = jnp.zeros((HMONET,), jnp.float32)
    inp['Wf2'] = nrm(ks[14], (HMONET, OUT_DIM))
    inp['bf2'] = jnp.zeros((OUT_DIM,), jnp.float32)
    return inp


def reference(x, edge_index, W1g, al1, ar1, b1, rW1, W2g, al2, ar2, b2, rW2, Wc1, bc1, Wc2, bc2, Wc3, bc3, Wf1, bf1, Wf2, bf2):
    return _monet(x, edge_index, W1g, al1, ar1, b1, rW1, W2g, al2, ar2, b2, rW2, Wc1, bc1, Wc2, bc2, Wc3, bc3, Wf1, bf1, Wf2, bf2)

if __name__ == "__main__":
    import jax
    _d = setup_inputs()
    print(jax.jit(kernel)(*tuple(_d.values())))

</pallas_src>

<mosaic_0001>
#map = affine_map<(d0, d1) -> (0)>
module attributes {stable_mosaic.version = 14 : i64} {
  func.func @_bucket_body(%arg0: i32, %arg1: i32, %arg2: memref<320000xi32, #tpu.memory_space<hbm>>, %arg3: memref<320000xi32, #tpu.memory_space<hbm>>, %arg4: memref<512xi32, #tpu.memory_space<hbm>>, %arg5: memref<1415168xi32, #tpu.memory_space<hbm>>, %arg6: memref<655360xf32, #tpu.memory_space<hbm>>, %arg7: memref<2000xi32, #tpu.memory_space<vmem>>, %arg8: memref<2000xi32, #tpu.memory_space<vmem>>, %arg9: memref<44224xi32, #tpu.memory_space<vmem>>, %arg10: memref<10240xf32, #tpu.memory_space<vmem>>, %arg11: memref<10240xf32, #tpu.memory_space<vmem>>, %arg12: memref<16xi32, #tpu.memory_space<vmem>>) attributes {dimension_semantics = [#tpu.dimension_semantics<core_parallel>, #tpu.dimension_semantics<subcore_parallel>], iteration_bounds = array<i64: 2, 16>, scalar_prefetch = 0 : i64, scratch_operands = 6 : i64, tpu.core_type = #tpu.core_type<sc_vector_subcore>, window_params = [{transform_indices = #map}, {transform_indices = #map}, {transform_indices = #map}, {transform_indices = #map}, {transform_indices = #map}]} {
    %mul3A = arith.constant 16 : i32
    %mul3A_0 = arith.muli %arg0, %mul3A : i32
    %add3A = arith.addi %mul3A_0, %arg1 : i32
    %broadcast_in_dim3A = arith.constant 0.000000e+00 : f32
    %broadcast_in_dim3A_1 = vector.broadcast %broadcast_in_dim3A : f32 to vector<16xf32>
    %broadcast_in_dim3A_2 = arith.constant 0 : i32
    %broadcast_in_dim3A_3 = vector.broadcast %broadcast_in_dim3A_2 : i32 to vector<16xi32>
    %broadcast_in_dim3A_4 = arith.constant 1.000000e+00 : f32
    %broadcast_in_dim3A_5 = vector.broadcast %broadcast_in_dim3A_4 : f32 to vector<16xf32>
    %scan3A = arith.constant 0 : i32
    %scan3A_6 = arith.constant 0 : i32
    %scan3A_7 = arith.constant 640 : i32
    %scan3A_8 = arith.addi %scan3A_6, %scan3A_7 : i32
    %scan3A_9 = arith.constant 1 : i32
    %scan3A_10 = scf.for %scan3A_91 = %scan3A_6 to %scan3A_8 step %scan3A_9 iter_args(%scan3A_92 = %scan3A) -> (i32)  : i32 {
      %mul3A_93 = arith.constant 16 : i32
      %mul3A_94 = arith.muli %scan3A_91, %mul3A_93 : i32
      %swap3A_95 = arith.index_cast %mul3A_94 : i32 to index
      %swap3A_96 = tpu.vector_load %arg10[%swap3A_95] {strides = array<i32>} : memref<10240xf32, #tpu.memory_space<vmem>>, vector<16xf32>,
      tpu.vector_store %arg10[%swap3A_95], %broadcast_in_dim3A_1 {strides = array<i32>} : memref<10240xf32, #tpu.memory_space<vmem>>, vector<16xf32>,
      %mul3A_97 = arith.constant 16 : i32
      %mul3A_98 = arith.muli %scan3A_91, %mul3A_97 : i32
      %swap3A_99 = arith.index_cast %mul3A_98 : i32 to index
      %swap3A_100 = tpu.vector_load %arg11[%swap3A_99] {strides = array<i32>} : memref<10240xf32, #tpu.memory_space<vmem>>, vector<16xf32>,
      tpu.vector_store %arg11[%swap3A_99], %broadcast_in_dim3A_1 {strides = array<i32>} : memref<10240xf32, #tpu.memory_space<vmem>>, vector<16xf32>,
      %scan3A_101 = arith.constant 0 : i32
      scf.yield %scan3A_101 : i32
    }
    %scan3A_11 = arith.constant 640 : i32
    %scan3A_12 = arith.constant 0 : i32
    %scan3A_13 = arith.constant 0 : i32
    %scan3A_14 = arith.constant 0 : i32
    %scan3A_15 = arith.constant 0 : i32
    %scan3A_16 = arith.constant 0 : i32
    %scan3A_17 = arith.constant 5 : i32
    %scan3A_18 = arith.addi %scan3A_16, %scan3A_17 : i32
    %scan3A_19 = arith.constant 1 : i32
    %scan3A_20:4 = scf.for %scan3A_91 = %scan3A_16 to %scan3A_18 step %scan3A_19 iter_args(%scan3A_92 = %scan3A_12, %scan3A_93 = %scan3A_13, %scan3A_94 = %scan3A_14, %scan3A_95 = %scan3A_15) -> (i32, i32, i32, i32)  : i32 {
      %mul3A_96 = arith.constant 10000 : i32
      %mul3A_97 = arith.muli %add3A, %mul3A_96 : i32
      %mul3A_98 = arith.constant 2000 : i32
      %mul3A_99 = arith.muli %scan3A_91, %mul3A_98 : i32
      %add3A_100 = arith.addi %mul3A_97, %mul3A_99 : i32
      "tpu.region"() ({
        %run_scoped3A = tpu.sem_alloc : memref<!tpu.dma_semaphore, #tpu.memory_space<semaphore_mem>>
        %dma_start3A = tpu.memref_slice %arg2[%add3A_100] : memref<320000xi32, #tpu.memory_space<hbm>> -> memref<2000xi32, #tpu.memory_space<hbm>>
        %dma_start3A_107 = tpu.memref_slice %arg2[%add3A_100] : memref<320000xi32, #tpu.memory_space<hbm>> -> memref<2000xi32, #tpu.memory_space<hbm>>
        tpu.enqueue_dma source(%dma_start3A_107 : memref<2000xi32, #tpu.memory_space<hbm>>) target(%arg7 : memref<2000xi32, #tpu.memory_space<vmem>>) target_semaphore(%run_scoped3A : memref<!tpu.dma_semaphore, #tpu.memory_space<semaphore_mem>>)
        %dma_wait3A = tpu.memref_slice %arg2[%add3A_100] : memref<320000xi32, #tpu.memory_space<hbm>> -> memref<2000xi32, #tpu.memory_space<hbm>>
        %dma_wait3A_108 = tpu.memref_slice %arg2[%add3A_100] : memref<320000xi32, #tpu.memory_space<hbm>> -> memref<2000xi32, #tpu.memory_space<hbm>>
        tpu.wait_dma2 semaphore(%run_scoped3A : memref<!tpu.dma_semaphore, #tpu.memory_space<semaphore_mem>>) src(%dma_wait3A_108 : memref<2000xi32, #tpu.memory_space<hbm>>) dst(%arg7 : memref<2000xi32, #tpu.memory_space<vmem>>)
        tpu.yield
      }) : () -> ()
      "tpu.region"() ({
        %run_scoped3A = tpu.sem_alloc : memref<!tpu.dma_semaphore, #tpu.memory_space<semaphore_mem>>
        %dma_start3A = tpu.memref_slice %arg3[%add3A_100] : memref<320000xi32, #tpu.memory_space<hbm>> -> memref<2000xi32, #tpu.memory_space<hbm>>
        %dma_start3A_107 = tpu.memref_slice %arg3[%add3A_100] : memref<320000xi32, #tpu.memory_space<hbm>> -> memref<2000xi32, #tpu.memory_space<hbm>>
        tpu.enqueue_dma source(%dma_start3A_107 : memref<2000xi32, #tpu.memory_space<hbm>>) target(%arg8 : memref<2000xi32, #tpu.memory_space<vmem>>) target_semaphore(%run_scoped3A : memref<!tpu.dma_semaphore, #tpu.memory_space<semaphore_mem>>)
        %dma_wait3A = tpu.memref_slice %arg3[%add3A_100] : memref<320000xi32, #tpu.memory_space<hbm>> -> memref<2000xi32, #tpu.memory_space<hbm>>
        %dma_wait3A_108 = tpu.memref_slice %arg3[%add3A_100] : memref<320000xi32, #tpu.memory_space<hbm>> -> memref<2000xi32, #tpu.memory_space<hbm>>
        tpu.wait_dma2 semaphore(%run_scoped3A : memref<!tpu.dma_semaphore, #tpu.memory_space<semaphore_mem>>) src(%dma_wait3A_108 : memref<2000xi32, #tpu.memory_space<hbm>>) dst(%arg8 : memref<2000xi32, #tpu.memory_space<vmem>>)
        tpu.yield
      }) : () -> ()
      %scan3A_101 = arith.constant 0 : i32
      %scan3A_102 = arith.constant 125 : i32
      %scan3A_103 = arith.addi %scan3A_101, %scan3A_102 : i32
      %scan3A_104 = arith.constant 1 : i32
      %scan3A_105:4 = scf.for %scan3A_107 = %scan3A_101 to %scan3A_103 step %scan3A_104 iter_args(%scan3A_108 = %scan3A_92, %scan3A_109 = %scan3A_93, %scan3A_110 = %scan3A_94, %scan3A_111 = %scan3A_95) -> (i32, i32, i32, i32)  : i32 {
        %mul3A_112 = arith.constant 16 : i32
        %mul3A_113 = arith.muli %scan3A_107, %mul3A_112 : i32
        %get3A = arith.index_cast %mul3A_113 : i32 to index
        %get3A_114 = tpu.vector_load %arg7[%get3A] {strides = array<i32>} : memref<2000xi32, #tpu.memory_space<vmem>>, vector<16xi32>,
        %mul3A_115 = arith.constant 16 : i32
        %mul3A_116 = arith.muli %scan3A_107, %mul3A_115 : i32
        %get3A_117 = arith.index_cast %mul3A_116 : i32 to index
        %get3A_118 = tpu.vector_load %arg8[%get3A_117] {strides = array<i32>} : memref<2000xi32, #tpu.memory_space<vmem>>, vector<16xi32>,
        tpu.vector_store_idx %arg10[%get3A_114], %broadcast_in_dim3A_5 {add = true} : memref<10240xf32, #tpu.memory_space<vmem>>[vector<16xi32>], vector<16xf32>,
        tpu.vector_store_idx %arg11[%get3A_118], %broadcast_in_dim3A_5 {add = true} : memref<10240xf32, #tpu.memory_space<vmem>>[vector<16xi32>], vector<16xf32>,
        %jit3A_119 = arith.constant 2500 : i32
        %div3A = vector.broadcast %jit3A_119 : i32 to vector<16xi32>
        %div3A_120 = arith.divsi %get3A_118, %div3A : vector<16xi32>
        %sign3A = arith.constant 0 : i32
        %sign3A_121 = vector.broadcast %sign3A : i32 to vector<16xi32>
        %sign3A_122 = arith.cmpi sgt, %get3A_118, %sign3A_121 : vector<16xi32>
        %sign3A_123 = arith.extui %sign3A_122 : vector<16xi1> to vector<16xi32>
        %sign3A_124 = arith.constant 0 : i32
        %sign3A_125 = vector.broadcast %sign3A_124 : i32 to vector<16xi32>
        %sign3A_126 = arith.cmpi slt, %get3A_118, %sign3A_125 : vector<16xi32>
        %sign3A_127 = arith.extui %sign3A_126 : vector<16xi1> to vector<16xi32>
        %sign3A_128 = arith.subi %sign3A_123, %sign3A_127 : vector<16xi32>
        %sign3A_129 = arith.constant 0 : i32
        %sign3A_130 = arith.cmpi sgt, %jit3A_119, %sign3A_129 : i32
        %sign3A_131 = arith.extui %sign3A_130 : i1 to i32
        %sign3A_132 = arith.constant 0 : i32
        %sign3A_133 = arith.cmpi slt, %jit3A_119, %sign3A_132 : i32
        %sign3A_134 = arith.extui %sign3A_133 : i1 to i32
        %sign3A_135 = arith.subi %sign3A_131, %sign3A_134 : i32
        %ne3A = vector.broadcast %sign3A_135 : i32 to vector<16xi32>
        %ne3A_136 = arith.cmpi ne, %sign3A_128, %ne3A : vector<16xi32>
        %rem3A = vector.broadcast %jit3A_119 : i32 to vector<16xi32>
        %rem3A_137 = arith.remsi %get3A_118, %rem3A : vector<16xi32>
        %ne3A_138 = arith.constant 0 : i32
        %ne3A_139 = vector.broadcast %ne3A_138 : i32 to vector<16xi32>
        %ne3A_140 = arith.cmpi ne, %rem3A_137, %ne3A_139 : vector<16xi32>
        %and3A = arith.andi %ne3A_136, %ne3A_140 : vector<16xi1>
        %sub3A = arith.constant 1 : i32
        %sub3A_141 = vector.broadcast %sub3A : i32 to vector<16xi32>
        %sub3A_142 = arith.subi %div3A_120, %sub3A_141 : vector<16xi32>
        %select_n3A_143 = arith.select %and3A, %sub3A_142, %div3A_120 : vector<16xi1>, vector<16xi32>
        %shift_left3A = arith.constant 14 : i32
        %shift_left3A_144 = vector.broadcast %shift_left3A : i32 to vector<16xi32>
        %shift_left3A_145 = arith.shli %get3A_118, %shift_left3A_144 : vector<16xi32>
        %or3A = arith.ori %get3A_114, %shift_left3A_145 : vector<16xi32>
        %eq3A_146 = arith.constant 0 : i32
        %eq3A_147 = vector.broadcast %eq3A_146 : i32 to vector<16xi32>
        %eq3A_148 = arith.cmpi eq, %select_n3A_143, %eq3A_147 : vector<16xi32>
        %add3A_149 = arith.constant 0 : i32
        %add3A_150 = arith.addi %add3A_149, %scan3A_108 : i32
        %swap3A_151 = arith.index_cast %add3A_150 : i32 to index
        %swap3A_152 = tpu.vector_load %arg9[%swap3A_151] masked %eq3A_148 {strides = array<i32>} : memref<44224xi32, #tpu.memory_space<vmem>>, vector<16xi32>, vector<16xi1>
        tpu.vector_store %arg9[%swap3A_151], %or3A masked %eq3A_148 {strides = array<i32>} : memref<44224xi32, #tpu.memory_space<vmem>>, vector<16xi32>, vector<16xi1>
        %convert_element_type3A = arith.extui %eq3A_148 : vector<16xi1> to vector<16xi32>
        %reduce_sum3A = arith.constant true
        %reduce_sum3A_153 = vector.broadcast %reduce_sum3A : i1 to vector<16xi1>
        %reduce_sum3A_154 = tpu.scan <sum>, %convert_element_type3A masked %reduce_sum3A_153 : vector<16xi32>, vector<16xi1> -> vector<16xi32>
        %reduce_sum3A_155 = vector.extract %reduce_sum3A_154[15] : i32 from vector<16xi32>
        %add3A_156 = arith.addi %scan3A_108, %reduce_sum3A_155 : i32
        %eq3A_157 = arith.constant 1 : i32
        %eq3A_158 = vector.broadcast %eq3A_157 : i32 to vector<16xi32>
        %eq3A_159 = arith.cmpi eq, %select_n3A_143, %eq3A_158 : vector<16xi32>
        %add3A_160 = arith.constant 11056 : i32
        %add3A_161 = arith.addi %add3A_160, %scan3A_109 : i32
        %swap3A_162 = arith.index_cast %add3A_161 : i32 to index
        %swap3A_163 = tpu.vector_load %arg9[%swap3A_162] masked %eq3A_159 {strides = array<i32>} : memref<44224xi32, #tpu.memory_space<vmem>>, vector<16xi32>, vector<16xi1>
        tpu.vector_store %arg9[%swap3A_162], %or3A masked %eq3A_159 {strides = array<i32>} : memref<44224xi32, #tpu.memory_space<vmem>>, vector<16xi32>, vector<16xi1>
        %convert_element_type3A_164 = arith.extui %eq3A_159 : vector<16xi1> to vector<16xi32>
        %reduce_sum3A_165 = arith.constant true
        %reduce_sum3A_166 = vector.broadcast %reduce_sum3A_165 : i1 to vector<16xi1>
        %reduce_sum3A_167 = tpu.scan <sum>, %convert_element_type3A_164 masked %reduce_sum3A_166 : vector<16xi32>, vector<16xi1> -> vector<16xi32>
        %reduce_sum3A_168 = vector.extract %reduce_sum3A_167[15] : i32 from vector<16xi32>
        %add3A_169 = arith.addi %scan3A_109, %reduce_sum3A_168 : i32
        %eq3A_170 = arith.constant 2 : i32
        %eq3A_171 = vector.broadcast %eq3A_170 : i32 to vector<16xi32>
        %eq3A_172 = arith.cmpi eq, %select_n3A_143, %eq3A_171 : vector<16xi32>
        %add3A_173 = arith.constant 22112 : i32
        %add3A_174 = arith.addi %add3A_173, %scan3A_110 : i32
        %swap3A_175 = arith.index_cast %add3A_174 : i32 to index
        %swap3A_176 = tpu.vector_load %arg9[%swap3A_175] masked %eq3A_172 {strides = array<i32>} : memref<44224xi32, #tpu.memory_space<vmem>>, vector<16xi32>, vector<16xi1>
        tpu.vector_store %arg9[%swap3A_175], %or3A masked %eq3A_172 {strides = array<i32>} : memref<44224xi32, #tpu.memory_space<vmem>>, vector<16xi32>, vector<16xi1>
        %convert_element_type3A_177 = arith.extui %eq3A_172 : vector<16xi1> to vector<16xi32>
        %reduce_sum3A_178 = arith.constant true
        %reduce_sum3A_179 = vector.broadcast %reduce_sum3A_178 : i1 to vector<16xi1>
        %reduce_sum3A_180 = tpu.scan <sum>, %convert_element_type3A_177 masked %reduce_sum3A_179 : vector<16xi32>, vector<16xi1> -> vector<16xi32>
        %reduce_sum3A_181 = vector.extract %reduce_sum3A_180[15] : i32 from vector<16xi32>
        %add3A_182 = arith.addi %scan3A_110, %reduce_sum3A_181 : i32
        %eq3A_183 = arith.constant 3 : i32
        %eq3A_184 = vector.broadcast %eq3A_183 : i32 to vector<16xi32>
        %eq3A_185 = arith.cmpi eq, %select_n3A_143, %eq3A_184 : vector<16xi32>
        %add3A_186 = arith.constant 33168 : i32
        %add3A_187 = arith.addi %add3A_186, %scan3A_111 : i32
        %swap3A_188 = arith.index_cast %add3A_187 : i32 to index
        %swap3A_189 = tpu.vector_load %arg9[%swap3A_188] masked %eq3A_185 {strides = array<i32>} : memref<44224xi32, #tpu.memory_space<vmem>>, vector<16xi32>, vector<16xi1>
        tpu.vector_store %arg9[%swap3A_188], %or3A masked %eq3A_185 {strides = array<i32>} : memref<44224xi32, #tpu.memory_space<vmem>>, vector<16xi32>, vector<16xi1>
        %convert_element_type3A_190 = arith.extui %eq3A_185 : vector<16xi1> to vector<16xi32>
        %reduce_sum3A_191 = arith.constant true
        %reduce_sum3A_192 = vector.broadcast %reduce_sum3A_191 : i1 to vector<16xi1>
        %reduce_sum3A_193 = tpu.scan <sum>, %convert_element_type3A_190 masked %reduce_sum3A_192 : vector<16xi32>, vector<16xi1> -> vector<16xi32>
        %reduce_sum3A_194 = vector.extract %reduce_sum3A_193[15] : i32 from vector<16xi32>
        %add3A_195 = arith.addi %scan3A_111, %reduce_sum3A_194 : i32
        scf.yield %add3A_156, %add3A_169, %add3A_182, %add3A_195 : i32, i32, i32, i32
      }
      %scan3A_106 = arith.constant 125 : i32
      scf.yield %scan3A_105#0, %scan3A_105#1, %scan3A_105#2, %scan3A_105#3 : i32, i32, i32, i32
    }
    %scan3A_21 = arith.constant 5 : i32
    %broadcast_in_dim3A_22 = arith.constant 163840000 : i32
    %broadcast_in_dim3A_23 = vector.broadcast %broadcast_in_dim3A_22 : i32 to vector<16xi32>
    %scan3A_24 = arith.constant 0 : i32
    %scan3A_25 = arith.constant 0 : i32
    %scan3A_26 = arith.constant 66 : i32
    %scan3A_27 = arith.addi %scan3A_25, %scan3A_26 : i32
    %scan3A_28 = arith.constant 1 : i32
    %scan3A_29 = scf.for %scan3A_91 = %scan3A_25 to %scan3A_27 step %scan3A_28 iter_args(%scan3A_92 = %scan3A_24) -> (i32)  : i32 {
      %add3A_93 = arith.constant 0 : i32
      %add3A_94 = arith.addi %add3A_93, %scan3A_20#0 : i32
      %mul3A_95 = arith.constant 16 : i32
      %mul3A_96 = arith.muli %scan3A_91, %mul3A_95 : i32
      %add3A_97 = arith.addi %add3A_94, %mul3A_96 : i32
      %swap3A_98 = arith.index_cast %add3A_97 : i32 to index
      %swap3A_99 = tpu.vector_load %arg9[%swap3A_98] {strides = array<i32>} : memref<44224xi32, #tpu.memory_space<vmem>>, vector<16xi32>,
      tpu.vector_store %arg9[%swap3A_98], %broadcast_in_dim3A_23 {strides = array<i32>} : memref<44224xi32, #tpu.memory_space<vmem>>, vector<16xi32>,
      %scan3A_100 = arith.constant 0 : i32
      scf.yield %scan3A_100 : i32
    }
    %scan3A_30 = arith.constant 66 : i32
    %scan3A_31 = arith.constant 0 : i32
    %scan3A_32 = arith.constant 0 : i32
    %scan3A_33 = arith.constant 66 : i32
    %scan3A_34 = arith.addi %scan3A_32, %scan3A_33 : i32
    %scan3A_35 = arith.constant 1 : i32
    %scan3A_36 = scf.for %scan3A_91 = %scan3A_32 to %scan3A_34 step %scan3A_35 iter_args(%scan3A_92 = %scan3A_31) -> (i32)  : i32 {
      %add3A_93 = arith.constant 11056 : i32
      %add3A_94 = arith.addi %add3A_93, %scan3A_20#1 : i32
      %mul3A_95 = arith.constant 16 : i32
      %mul3A_96 = arith.muli %scan3A_91, %mul3A_95 : i32
      %add3A_97 = arith.addi %add3A_94, %mul3A_96 : i32
      %swap3A_98 = arith.index_cast %add3A_97 : i32 to index
      %swap3A_99 = tpu.vector_load %arg9[%swap3A_98] {strides = array<i32>} : memref<44224xi32, #tpu.memory_space<vmem>>, vector<16xi32>,
      tpu.vector_store %arg9[%swap3A_98], %broadcast_in_dim3A_23 {strides = array<i32>} : memref<44224xi32, #tpu.memory_space<vmem>>, vector<16xi32>,
      %scan3A_100 = arith.constant 0 : i32
      scf.yield %scan3A_100 : i32
    }
    %scan3A_37 = arith.constant 66 : i32
    %scan3A_38 = arith.constant 0 : i32
    %scan3A_39 = arith.constant 0 : i32
    %scan3A_40 = arith.constant 66 : i32
    %scan3A_41 = arith.addi %scan3A_39, %scan3A_40 : i32
    %scan3A_42 = arith.constant 1 : i32
    %scan3A_43 = scf.for %scan3A_91 = %scan3A_39 to %scan3A_41 step %scan3A_42 iter_args(%scan3A_92 = %scan3A_38) -> (i32)  : i32 {
      %add3A_93 = arith.constant 22112 : i32
      %add3A_94 = arith.addi %add3A_93, %scan3A_20#2 : i32
      %mul3A_95 = arith.constant 16 : i32
      %mul3A_96 = arith.muli %scan3A_91, %mul3A_95 : i32
      %add3A_97 = arith.addi %add3A_94, %mul3A_96 : i32
      %swap3A_98 = arith.index_cast %add3A_97 : i32 to index
      %swap3A_99 = tpu.vector_load %arg9[%swap3A_98] {strides = array<i32>} : memref<44224xi32, #tpu.memory_space<vmem>>, vector<16xi32>,
      tpu.vector_store %arg9[%swap3A_98], %broadcast_in_dim3A_23 {strides = array<i32>} : memref<44224xi32, #tpu.memory_space<vmem>>, vector<16xi32>,
      %scan3A_100 = arith.constant 0 : i32
      scf.yield %scan3A_100 : i32
    }
    %scan3A_44 = arith.constant 66 : i32
    %scan3A_45 = arith.constant 0 : i32
    %scan3A_46 = arith.constant 0 : i32
    %scan3A_47 = arith.constant 66 : i32
    %scan3A_48 = arith.addi %scan3A_46, %scan3A_47 : i32
    %scan3A_49 = arith.constant 1 : i32
    %scan3A_50 = scf.for %scan3A_91 = %scan3A_46 to %scan3A_48 step %scan3A_49 iter_args(%scan3A_92 = %scan3A_45) -> (i32)  : i32 {
      %add3A_93 = arith.constant 33168 : i32
      %add3A_94 = arith.addi %add3A_93, %scan3A_20#3 : i32
      %mul3A_95 = arith.constant 16 : i32
      %mul3A_96 = arith.muli %scan3A_91, %mul3A_95 : i32
      %add3A_97 = arith.addi %add3A_94, %mul3A_96 : i32
      %swap3A_98 = arith.index_cast %add3A_97 : i32 to index
      %swap3A_99 = tpu.vector_load %arg9[%swap3A_98] {strides = array<i32>} : memref<44224xi32, #tpu.memory_space<vmem>>, vector<16xi32>,
      tpu.vector_store %arg9[%swap3A_98], %broadcast_in_dim3A_23 {strides = array<i32>} : memref<44224xi32, #tpu.memory_space<vmem>>, vector<16xi32>,
      %scan3A_100 = arith.constant 0 : i32
      scf.yield %scan3A_100 : i32
    }
    %scan3A_51 = arith.constant 66 : i32
    %iota3A = tpu.iota {dimensions = array<i32: 0>} : vector<16xi32>
    %eq3A = arith.constant 0 : i32
    %eq3A_52 = vector.broadcast %eq3A : i32 to vector<16xi32>
    %eq3A_53 = arith.cmpi eq, %iota3A, %eq3A_52 : vector<16xi32>
    %eq3A_54 = arith.constant 1 : i32
    %eq3A_55 = vector.broadcast %eq3A_54 : i32 to vector<16xi32>
    %eq3A_56 = arith.cmpi eq, %iota3A, %eq3A_55 : vector<16xi32>
    %eq3A_57 = arith.constant 2 : i32
    %eq3A_58 = vector.broadcast %eq3A_57 : i32 to vector<16xi32>
    %eq3A_59 = arith.cmpi eq, %iota3A, %eq3A_58 : vector<16xi32>
    %eq3A_60 = arith.constant 3 : i32
    %eq3A_61 = vector.broadcast %eq3A_60 : i32 to vector<16xi32>
    %eq3A_62 = arith.cmpi eq, %iota3A, %eq3A_61 : vector<16xi32>
    %jit3A = arith.constant 0 : i32
    %broadcast_in_dim3A_63 = vector.broadcast %scan3A_20#3 : i32 to vector<16xi32>
    %broadcast_in_dim3A_64 = vector.broadcast %jit3A : i32 to vector<16xi32>
    %select_n3A = arith.select %eq3A_62, %broadcast_in_dim3A_63, %broadcast_in_dim3A_64 : vector<16xi1>, vector<16xi32>
    %broadcast_in_dim3A_65 = vector.broadcast %scan3A_20#2 : i32 to vector<16xi32>
    %select_n3A_66 = arith.select %eq3A_59, %broadcast_in_dim3A_65, %select_n3A : vector<16xi1>, vector<16xi32>
    %broadcast_in_dim3A_67 = vector.broadcast %scan3A_20#1 : i32 to vector<16xi32>
    %select_n3A_68 = arith.select %eq3A_56, %broadcast_in_dim3A_67, %select_n3A_66 : vector<16xi1>, vector<16xi32>
    %broadcast_in_dim3A_69 = vector.broadcast %scan3A_20#0 : i32 to vector<16xi32>
    %select_n3A_70 = arith.select %eq3A_53, %broadcast_in_dim3A_69, %select_n3A_68 : vector<16xi1>, vector<16xi32>
    %swap3A = arith.constant 0 : index
    %swap3A_71 = tpu.vector_load %arg12[%swap3A] {strides = array<i32>} : memref<16xi32, #tpu.memory_space<vmem>>, vector<16xi32>,
    tpu.vector_store %arg12[%swap3A], %select_n3A_70 {strides = array<i32>} : memref<16xi32, #tpu.memory_space<vmem>>, vector<16xi32>,
    %mul3A_72 = arith.constant 256 : i32
    %mul3A_73 = arith.muli %arg0, %mul3A_72 : i32
    %mul3A_74 = arith.constant 16 : i32
    %mul3A_75 = arith.muli %arg1, %mul3A_74 : i32
    %add3A_76 = arith.addi %mul3A_73, %mul3A_75 : i32
    "tpu.region"() ({
      %run_scoped3A = tpu.sem_alloc : memref<!tpu.dma_semaphore, #tpu.memory_space<semaphore_mem>>
      %dma_start3A = tpu.memref_slice %arg4[%add3A_76] : memref<512xi32, #tpu.memory_space<hbm>> -> memref<16xi32, #tpu.memory_space<hbm>>
      %dma_start3A_91 = tpu.memref_slice %arg4[%add3A_76] : memref<512xi32, #tpu.memory_space<hbm>> -> memref<16xi32, #tpu.memory_space<hbm>>
      tpu.enqueue_dma source(%arg12 : memref<16xi32, #tpu.memory_space<vmem>>) target(%dma_start3A_91 : memref<16xi32, #tpu.memory_space<hbm>>) target_semaphore(%run_scoped3A : memref<!tpu.dma_semaphore, #tpu.memory_space<semaphore_mem>>)
      %dma_wait3A = tpu.memref_slice %arg4[%add3A_76] : memref<512xi32, #tpu.memory_space<hbm>> -> memref<16xi32, #tpu.memory_space<hbm>>
      %dma_wait3A_92 = tpu.memref_slice %arg4[%add3A_76] : memref<512xi32, #tpu.memory_space<hbm>> -> memref<16xi32, #tpu.memory_space<hbm>>
      tpu.wait_dma2 semaphore(%run_scoped3A : memref<!tpu.dma_semaphore, #tpu.memory_space<semaphore_mem>>) src(%arg12 : memref<16xi32, #tpu.memory_space<vmem>>) dst(%dma_wait3A_92 : memref<16xi32, #tpu.memory_space<hbm>>)
      tpu.yield
    }) : () -> ()
    %mul3A_77 = arith.constant 16 : i32
    %mul3A_78 = arith.muli %arg0, %mul3A_77 : i32
    %add3A_79 = arith.addi %mul3A_78, %arg1 : i32
    %mul3A_80 = arith.constant 44224 : i32
    %mul3A_81 = arith.muli %add3A_79, %mul3A_80 : i32
    "tpu.region"() ({
      %run_scoped3A = tpu.sem_alloc : memref<!tpu.dma_semaphore, #tpu.memory_space<semaphore_mem>>
      %dma_start3A = tpu.memref_slice %arg5[%mul3A_81] : memref<1415168xi32, #tpu.memory_space<hbm>> -> memref<44224xi32, #tpu.memory_space<hbm>>
      %dma_start3A_91 = tpu.memref_slice %arg5[%mul3A_81] : memref<1415168xi32, #tpu.memory_space<hbm>> -> memref<44224xi32, #tpu.memory_space<hbm>>
      tpu.enqueue_dma source(%arg9 : memref<44224xi32, #tpu.memory_space<vmem>>) target(%dma_start3A_91 : memref<44224xi32, #tpu.memory_space<hbm>>) target_semaphore(%run_scoped3A : memref<!tpu.dma_semaphore, #tpu.memory_space<semaphore_mem>>)
      %dma_wait3A = tpu.memref_slice %arg5[%mul3A_81] : memref<1415168xi32, #tpu.memory_space<hbm>> -> memref<44224xi32, #tpu.memory_space<hbm>>
      %dma_wait3A_92 = tpu.memref_slice %arg5[%mul3A_81] : memref<1415168xi32, #tpu.memory_space<hbm>> -> memref<44224xi32, #tpu.memory_space<hbm>>
      tpu.wait_dma2 semaphore(%run_scoped3A : memref<!tpu.dma_semaphore, #tpu.memory_space<semaphore_mem>>) src(%arg9 : memref<44224xi32, #tpu.memory_space<vmem>>) dst(%dma_wait3A_92 : memref<44224xi32, #tpu.memory_space<hbm>>)
      tpu.yield
    }) : () -> ()
    %mul3A_82 = arith.constant 16 : i32
    %mul3A_83 = arith.muli %arg0, %mul3A_82 : i32
    %add3A_84 = arith.addi %mul3A_83, %arg1 : i32
    %mul3A_85 = arith.constant 2 : i32
    %mul3A_86 = arith.muli %add3A_84, %mul3A_85 : i32
    %mul3A_87 = arith.constant 10240 : i32
    %mul3A_88 = arith.muli %mul3A_86, %mul3A_87 : i32
    "tpu.region"() ({
      %run_scoped3A = tpu.sem_alloc : memref<!tpu.dma_semaphore, #tpu.memory_space<semaphore_mem>>
      %dma_start3A = tpu.memref_slice %arg6[%mul3A_88] : memref<655360xf32, #tpu.memory_space<hbm>> -> memref<10240xf32, #tpu.memory_space<hbm>>
      %dma_start3A_91 = tpu.memref_slice %arg6[%mul3A_88] : memref<655360xf32, #tpu.memory_space<hbm>> -> memref<10240xf32, #tpu.memory_space<hbm>>
      tpu.enqueue_dma source(%arg10 : memref<10240xf32, #tpu.memory_space<vmem>>) target(%dma_start3A_91 : memref<10240xf32, #tpu.memory_space<hbm>>) target_semaphore(%run_scoped3A : memref<!tpu.dma_semaphore, #tpu.memory_space<semaphore_mem>>)
      %dma_wait3A = tpu.memref_slice %arg6[%mul3A_88] : memref<655360xf32, #tpu.memory_space<hbm>> -> memref<10240xf32, #tpu.memory_space<hbm>>
      %dma_wait3A_92 = tpu.memref_slice %arg6[%mul3A_88] : memref<655360xf32, #tpu.memory_space<hbm>> -> memref<10240xf32, #tpu.memory_space<hbm>>
      tpu.wait_dma2 semaphore(%run_scoped3A : memref<!tpu.dma_semaphore, #tpu.memory_space<semaphore_mem>>) src(%arg10 : memref<10240xf32, #tpu.memory_space<vmem>>) dst(%dma_wait3A_92 : memref<10240xf32, #tpu.memory_space<hbm>>)
      tpu.yield
    }) : () -> ()
    %add3A_89 = arith.constant 10240 : i32
    %add3A_90 = arith.addi %mul3A_88, %add3A_89 : i32
    "tpu.region"() ({
      %run_scoped3A = tpu.sem_alloc : memref<!tpu.dma_semaphore, #tpu.memory_space<semaphore_mem>>
      %dma_start3A = tpu.memref_slice %arg6[%add3A_90] : memref<655360xf32, #tpu.memory_space<hbm>> -> memref<10240xf32, #tpu.memory_space<hbm>>
      %dma_start3A_91 = tpu.memref_slice %arg6[%add3A_90] : memref<655360xf32, #tpu.memory_space<hbm>> -> memref<10240xf32, #tpu.memory_space<hbm>>
      tpu.enqueue_dma source(%arg11 : memref<10240xf32, #tpu.memory_space<vmem>>) target(%dma_start3A_91 : memref<10240xf32, #tpu.memory_space<hbm>>) target_semaphore(%run_scoped3A : memref<!tpu.dma_semaphore, #tpu.memory_space<semaphore_mem>>)
      %dma_wait3A = tpu.memref_slice %arg6[%add3A_90] : memref<655360xf32, #tpu.memory_space<hbm>> -> memref<10240xf32, #tpu.memory_space<hbm>>
      %dma_wait3A_92 = tpu.memref_slice %arg6[%add3A_90] : memref<655360xf32, #tpu.memory_space<hbm>> -> memref<10240xf32, #tpu.memory_space<hbm>>
      tpu.wait_dma2 semaphore(%run_scoped3A : memref<!tpu.dma_semaphore, #tpu.memory_space<semaphore_mem>>) src(%arg11 : memref<10240xf32, #tpu.memory_space<vmem>>) dst(%dma_wait3A_92 : memref<10240xf32, #tpu.memory_space<hbm>>)
      tpu.yield
    }) : () -> ()
    return
  }
}

</mosaic_0001>

<sc_bundles>
// kernel: _bucket.3.cloned.1.call-start
scs
__scs_entry_jumppad:
0x0: {  	(pc) =	sbr.rel $0x88, $3  }
0x1: {  	(tag) =	ssettag $0x0;
	lr =	simm.s32 $0x1  }
0x2: {  	[smem:$0x3F9F] =	sst lr;
	_ =	strace $0xD0000000  }
0x3: {  	_ = 	snop  }
0x4: {  	_ = 	snop  }
0x5: {  	_ = 	snop  }
0x6: {  	_ = 	snop  }
0x7: {  	_ = 	snop  }
__scs_overlays_trampoline_lowered:
0x8: {  	[smem:$0x3FAE] =	sst s0  }
0x9: {  	[smem:$0x3FAF] =	sst s1  }
0xa: {  	[smem:$0x3FB0] =	sst s2  }
0xb: {  	[smem:$0x3FB1] =	sst s3  }
0xc: {  	[smem:$0x3FB2] =	sst s4  }
0xd: {  	[smem:$0x3FB3] =	sst s5  }
0xe: {  	[smem:$0x3FB4] =	sst s6  }
0xf: {  	[smem:$0x3FB5] =	sst s7  }
0x10: {  	[smem:$0x3FB6] =	sst s8  }
0x11: {  	[smem:$0x3FB7] =	sst s9;
	s0 =	simm.s32 @!p0 $0x0  }
0x12: {  	s1 =	sld [smem:$0x3F9D];
	s0 =	simm.s32 @p0 $0x1  }
0x13: {  	[smem:$0x3FB8] =	sst s0;
	s0 =	simm.s32 @!p1 $0x0  }
0x14: {  	s2 =	sld [smem:$0x3F9C];
	s0 =	simm.s32 @p1 $0x1  }
0x15: {  	[smem:$0x3FB9] =	sst s0;
	s0 =	simm.s32 @!p2 $0x0  }
0x16: {  	s3 =	sld [smem:$0x3FDB];
	s0 =	simm.s32 @p2 $0x1  }
0x17: {  	s4 =	simm.s32 $0x1BF5;
	[smem:$0x3FBB] =	sst s0  }
0x18: {  	s0 =	sld [smem:$0x3F9E];
	_ =	swait.ge [sflag:s4], $0x0  }
0x19: {  	s7 =	sld [smem:$0x3F9F]  }
0x1a: {  	s8 =	sadd.s32 $0xFFFFE003, lr  }
0x1b: {  	s9 =	sadd.s32 $0xFFFFFEF7, lr;
	s5 =	simm.s32 $0xFFFFFFFF;
	p2 =	slt.u32 s8, $0xFFFFF086  }
0x1c: {  	p1 =	slt.u32 s9, $0xF7A;
	s5 =	simm.s32 @!p2 $0x0  }
0x1d: {  	s5 =	simm.s32 @p1 $0x1;
	p0 =	seq.s32 s7, s2  }
0x1e: {  	s7 =	smul.u32 @!p0 $0xF7A, s2;
	p2 =	seq.s32 @!p0 s5, $0x0  }
0x1f: {  	s9 =	smul.u32 $0xF7A, s1;
	s8 =	simm.s32 @!p0 $0x1BF5;
	p2 =	por !p2, p0  }
0x20: {  	[sflag:s8] =	ssyncset.s32 @!p0 $0xFFFFF086;
	s6 =	sadd.s32 @!p0 s3, s7;
	s7 =	simm.s32 @!p0 $0x108  }
0x21: {  	s3 =	sadd.s32 s3, s9;
	s6 =	sadd.s32 @!p0 $0x88, s6;
	s7 =	simm.s32 @p2 $0x1082  }
0x22: {  	[simem:s7], [sflag:s8] =	dma.local @!p0 [hbm:s6], $0xF7A  }
0x23: {  	s9 =	sor.u32 $0xD0000000, s2;
	s6 =	simm.s32 $0x108;
	_ =	swait.ge @!p0 [sflag:s8], $0x0  }
0x24: {  	s3 =	sadd.s32 $0x88, s3;
	s6 =	simm.s32 @!p1 $0x1082;
	[sflag:s4] =	ssyncset.s32 $0xFFFFF086  }
0x25: {  	[simem:s6], [sflag:s4] =	dma.local [hbm:s3], $0xF7A  }
0x26: {  	[smem:$0x3F9F] =	sst s1;
	(tag) =	ssettag s2;
	_ =	strace s9  }
0x27: {  	s1 =	sld [smem:$0x3FAF]  }
0x28: {  	s2 =	sld [smem:$0x3FB0]  }
0x29: {  	s4 =	sld [smem:$0x3FB2]  }
0x2a: {  	p0 =	seq.s32 s5, $0x0;
	s5 =	sld [smem:$0x3FB3]  }
0x2b: {  	s6 =	sld [smem:$0x3FB4]  }
0x2c: {  	s7 =	sld [smem:$0x3FB5]  }
0x2d: {  	s3 =	simm.s32 $0x108;
	s8 =	sld [smem:$0x3FB6]  }
0x2e: {  	s3 =	simm.s32 @!p0 $0x1082;
	s9 =	sld [smem:$0x3FB7]  }
0x2f: {  	lr =	sadd.s32 s0, s3;
	s0 =	sld [smem:$0x3FAE]  }
0x30: {  	s3 =	sld [smem:$0x3FB1]  }
0x31: {  	[smem:$0x3FBA] =	sst s10  }
0x32: {  	s10 =	sld [smem:$0x3FB8];
	_ =	sdelay $0x3  }
0x33: {  	p0 =	seq.s32 s10, $0x1;
	s10 =	sld [smem:$0x3FBA];
	_ =	sdelay $0x3  }
0x34: {  	[smem:$0x3FBA] =	sst s10  }
0x35: {  	s10 =	sld [smem:$0x3FB9];
	_ =	sdelay $0x3  }
0x36: {  	p1 =	seq.s32 s10, $0x1;
	s10 =	sld [smem:$0x3FBA];
	_ =	sdelay $0x3  }
0x37: {  	[smem:$0x3FBA] =	sst s10  }
0x38: {  	s10 =	sld [smem:$0x3FBB]  }
0x39: {  	_ = 	snop;
	(pc) =	sbr.ind lr, $3  }
0x3a: {  	_ = 	snop  }
0x3b: {  	_ = 	snop  }
0x3c: {  	p2 =	seq.s32 s10, $0x1;
	s10 =	sld [smem:$0x3FBA]  }
0x3d: {  	_ =	shalt  }
0x3e: {  	_ =	shalt  }
0x3f: {  	_ =	shalt  }
0x40: {  	_ =	shalt  }
0x41: {  	_ =	shalt  }
0x42: {  	_ =	shalt  }
0x43: {  	_ =	shalt  }
0x44: {  	_ =	shalt  }
0x45: {  	_ =	shalt  }
0x46: {  	_ =	shalt  }
0x47: {  	_ =	shalt  }
0x48: {  	_ =	shalt  }
0x49: {  	_ =	shalt  }
0x4a: {  	_ =	shalt  }
0x4b: {  	_ =	shalt  }
0x4c: {  	_ =	shalt  }
0x4d: {  	_ =	shalt  }
0x4e: {  	_ =	shalt  }
0x4f: {  	_ =	shalt  }
0x50: {  	_ =	shalt  }
0x51: {  	_ =	shalt  }
0x52: {  	_ =	shalt  }
0x53: {  	_ =	shalt  }
0x54: {  	_ =	shalt  }
0x55: {  	_ =	shalt  }
0x56: {  	_ =	shalt  }
0x57: {  	_ =	shalt  }
0x58: {  	_ =	shalt  }
0x59: {  	_ =	shalt  }
0x5a: {  	_ =	shalt  }
0x5b: {  	_ =	shalt  }
0x5c: {  	_ =	shalt  }
0x5d: {  	_ =	shalt  }
0x5e: {  	_ =	shalt  }
0x5f: {  	_ =	shalt  }
0x60: {  	_ =	shalt  }
0x61: {  	_ =	shalt  }
0x62: {  	_ =	shalt  }
0x63: {  	_ =	shalt  }
0x64: {  	_ =	shalt  }
0x65: {  	_ =	shalt  }
0x66: {  	_ =	shalt  }
0x67: {  	_ =	shalt  }
0x68: {  	_ =	shalt  }
0x69: {  	_ =	shalt  }
0x6a: {  	_ =	shalt  }
0x6b: {  	_ =	shalt  }
0x6c: {  	_ =	shalt  }
0x6d: {  	_ =	shalt  }
0x6e: {  	_ =	shalt  }
0x6f: {  	_ =	shalt  }
0x70: {  	_ =	shalt  }
0x71: {  	_ =	shalt  }
0x72: {  	_ =	shalt  }
0x73: {  	_ =	shalt  }
0x74: {  	_ =	shalt  }
0x75: {  	_ =	shalt  }
0x76: {  	_ =	shalt  }
0x77: {  	_ =	shalt  }
0x78: {  	_ =	shalt  }
0x79: {  	_ =	shalt  }
0x7a: {  	_ =	shalt  }
0x7b: {  	_ =	shalt  }
0x7c: {  	_ =	shalt  }
0x7d: {  	_ =	shalt  }
0x7e: {  	_ =	shalt  }
0x7f: {  	_ =	shalt  }
0x80: {  	_ =	shalt  }
0x81: {  	_ =	shalt  }
0x82: {  	_ =	shalt  }
0x83: {  	_ =	shalt  }
0x84: {  	_ =	shalt  }
0x85: {  	_ =	shalt  }
0x86: {  	_ =	shalt  }
0x87: {  	_ =	shalt  }
.Lfunc_end0:
.L_simem_size_0:
called_computation_lowered:
.L_overlay_start_0:
0x88: {  	s2 =	sld [smem:$0x3FD9]  }
0x89: {  	s3 =	sld [smem:$0x3FFE];
	_ =	sdelay $0x1  }
0x8a: {  	s1 =	srdreg.scid  }
0x8b: {  	s0 =	sand.u32 $0x1, s1  }
0x8c: {  	s15 =	sshll.u32 s0, $0xA;
	s2 =	sadd.s32 s3, s2  }
0x8d: {  	s2 =	sadd.s32 s2, s15  }
0x8e: {  	[smem:$0x3FC6] =	sst s2  }
0x8f: {  	_ = 	snop  }
0x90: {  	s2 =	sld [smem:$0x3FD0];
	_ =	sdelay $0x1  }
0x91: {  	s16 =	sld [smem:$0x3FC9]  }
0x92: {  	s5 =	simm.s32 $0xA;
	s6 =	simm.s32 $0x10;
	s4 =	sld [smem:$0x3FC8]  }
0x93: {  	[smem:s6], [sflag:s5] =	dma.local [hbm:s2], $0x1  }
0x94: {  	_ =	swait.eq [sflag:s5], $0x1  }
0x95: {  	s17 =	sld [smem:$0x10];
	[sflag:s5] =	ssyncset.done $0x0  }
0x96: {  	s18 =	sld [smem:$0x11];
	[sflag:s5] =	ssyncadd.s32 $0xFFFFFFFF  }
0x97: {  	s19 =	sld [smem:$0x12];
	(tm) =	ssettm $0x1  }
0x98: {  	s7 =	sld [smem:$0x3FFB];
	_ =	sdelay $0x3  }
0x99: {  	_ =	strace s7  }
0x9a: {  	s7 =	sld [smem:$0x3FFC];
	_ =	sdelay $0x3  }
0x9b: {  	_ =	strace s7  }
0x9c: {  	s7 =	sld [smem:$0x3FFD];
	_ =	sdelay $0x3  }
0x9d: {  	_ =	strace s7  }
0x9e: {  	_ =	strace $0x8FFFFFFF  }
0x9f: {  	s20 =	sld [smem:$0x3FDB];
	_ =	sdelay $0x1  }
0xa0: {  	s8 =	simm.s32 $_scs_section_size  }
0xa1: {  	s9 =	simm.s32 $_size__tile_overlayer_lowered;
	s10 =	simm.s32 $_tile_overlayer_lowered  }
0xa2: {  	s23 =	simm.s32 $0x1BFF;
	s22 =	sshll.u32 s10, $0x1;
	s7 =	sadd.s32 s8, s20  }
0xa3: {  	s11 =	simm.s32 $0x0;
	s21 =	sshll.u32 s9, $0x1;
	s9 =	sadd.s32 s22, s7  }
0xa4: {  	[timem:s11], [sflag:s23] =	dma.local [hbm:s9], s21  }
0xa5: {  	_ =	swait.ge [sflag:s23], s21  }
0xa6: {  	s8 =	ssub.s32 $0x0, s21;
	[sflag:s23] =	ssyncset.done $0x0  }
0xa7: {  	[sflag:s23] =	ssyncadd.s32 s8;
	_ =	sdelay $0x1  }
0xa8: {  	s24 =	simm.s32 $0x1B8B  }
0xa9: {  	_ =	swait.ge [sflag:s24], $0x1  }
0xaa: {  	[sflag:s24] =	ssyncset.done $0x0  }
0xab: {  	s25 =	simm.s32 $0x1B8E;
	[sflag:s24] =	ssyncadd.s32 $0xFFFFFFFF  }
0xac: {  	s26 =	simm.s32 $execute0_lowered;
	[smem:$0x3FD2] =	sst s25  }
0xad: {  	s8 =	sshll.u32 s26, $0x1;
	_ =	strace $0x80000046;
	[dreg:$0x1] =	wrdreg $0xFFFFFFFF  }
0xae: {  	s28 =	simm.s32 $_size_execute0_lowered;
	s7 =	sadd.s32 s7, s8;
	[dreg:$0x0] =	wrdreg $0x0  }
0xaf: {  	s8 =	sshll.u32 s28, $0x1;
	[dreg:$0x2] =	wrdreg s7  }
0xb0: {  	[dreg:$0x3] =	wrdreg s8  }
0xb1: {  	[dreg:$0x4] =	wrdreg $0xC0  }
0xb2: {  	_ =	task [dreg:s11], $0x5FFFF  }
0xb3: {  	[dreg:$0x1] =	wrdreg $0xFFFFFFFF  }
0xb4: {  	[dreg:$0x0] =	wrdreg $0x60  }
0xb5: {  	[dreg:$0x2] =	wrdreg s16  }
0xb6: {  	[dreg:$0x3] =	wrdreg s4  }
0xb7: {  	[dreg:$0x4] =	wrdreg s17  }
0xb8: {  	[dreg:$0x5] =	wrdreg s18  }
0xb9: {  	[dreg:$0x6] =	wrdreg s19  }
0xba: {  	[dreg:$0x7] =	wrdreg $0x9  }
0xbb: {  	_ =	task.clear_ibuf [dreg:s11], $0x8FFFF;
	_ =	strace $0x90000046  }
0xbc: {  	s29 =	simm.s32 $0x9;
	_ =	strace $0x80000048  }
0xbd: {  	_ =	swait.ge [sflag:s29], $0x1  }
0xbe: {  	[sflag:s29] =	ssyncadd.s32 $0xFFFFFFFF  }
0xbf: {  	_ =	strace $0x90000048  }
0xc0: {  	_ =	sfence  }
0xc1: {  	s30 =	sld [smem:$0x0];
	_ =	sdelay $0x2  }
0xc2: {  	s31 =	sshll.u32 s1, $0xD;
	s1 =	sshrl.u32 s1, $0x2  }
0xc3: {  	s3 =	sand.u32 $0x4000, s31;
	s1 =	sadd.s32 s1, s30  }
0xc4: {  	s0 =	sor.u32 s3, s0;
	s1 =	sshll.u32 s1, $0x11  }
0xc5: {  	s0 =	sor.u32 s1, s0  }
0xc6: {  	s0 =	sadd.s32 $0x8F2B, s0  }
0xc7: {  	[sflag:s0] =	ssyncadd.remote.s32 $0x1  }
0xc8: {  	_ =	sfence.sel $0xFFFF  }
0xc9: {  	[dreg:$0x0] =	wrdreg $0xFFFFFFFF;
	(pc) =	sbr.abs _section_cstart, $3  }
0xca: {  	[dreg:$0x1] =	wrdreg $0xFFFFFFFF  }
0xcb: {  	_ =	task.clear_ibuf [dreg:s11], $0x2FFFF;
	_ =	strace $0x9FFFFFFF  }
0xcc: {  	(tm) =	ssettm $0x7FFFFFFF  }
0xcd: {  	_ =	shalt  }
tec
execute0_lowered:
.L_overlay_start_1:
0x0: {  	(tag) =	ssettag $0x1  }
0x1: {  	s3 =	srdreg.scid  }
0x2: {  	s2 =	rddreg [dreg:$0x2];
	s3 =	sand.u32 $0x1, s3  }
0x3: {  	s6 =	rddreg [dreg:$0x3];
	s0 =	stileid.u32;
	s5 =	sshll.u32 s3, $0x4  }
0x4: {  	s7 =	rddreg [dreg:$0x4];
	s1 =	simm.s32 $0x0;
	s8 =	sor.u32 s0, s5  }
0x5: {  	v2 =	vimm.s32 $0xECA86420;
	[smem:$0x7FF] =	sst s1;
	s25 =	sshll.u32 s0, $0x1;
	s24 =	smul.u32 $0x2710, s8  }
0x6: {  	v0 =	vimm.f32 $0.0e+00;
	v1 =	vimm.f32 $1.000000000e+00;
	vm0 =	vcmask $0xB08;
	s9 =	ssub.s32 $0x2, s3;
	s3 =	sshll.u32 s3, $0x5;
	s11 =	smul.u32 $0x5000, s8  }
0x7: {  	vm1 =	vcmask $0x1310;
	vm2 =	vcmask $0x1B18;
	vm3 =	vcmask $0x300;
	s2 =	sadd.s32 s2, s25;
	s10 =	sshrl.u32 s9, $0x1;
	s8 =	smul.u32 $0x1598, s8  }
0x8: {  	vm4 =	vcmask $0x2320;
	vm5 =	vcmask $0x2B28;
	vm6 =	vcmask $0x3330;
	s28 =	sadd.s32 s3, s2;
	s9 =	ssub.s32 s9, s10;
	[dreg:$0xc] =	wrdreg s24  }
0x9: {  	v3 =	vlaneseq.u32;
	vm7 =	vcmask $0x3B38;
	vm8 =	vmmov $0xff;
	s29 =	sadd.s32 s6, s8;
	_ =	strace $0x80000047;
	[dreg:$0xd] =	wrdreg s28  }
0xa: {  	vm9 =	vcmask $0x704;
	vm10 =	vcmask $0xF0C;
	vm11 =	vcmask $0x1714;
	s31 =	smax.u32 s9, $0x1;
	s26 =	sshrl.u32 s11, $0x3;
	[dreg:$0xe] =	wrdreg s29  }
0xb: {  	vm12 =	vcmask $0x1F1C;
	vm13 =	vcmask $0x2724;
	v2 =	vunpack.c.l.s4.s8 v2;
	s30 =	sadd.s32 s7, s26;
	[dreg:$0x11] =	wrdreg s31  }
0xc: {  	s14 =	simm.s32 $0xBC60;
	vm14 =	vcmask $0x2F2C;
	vm15 =	vcmask $0x3734;
	v4 =	vimm.s32 $0x0;
	[dreg:$0xf] =	wrdreg s30;
	s0 =	sadd.s32 $0x500, s30  }
0xd: {  	s18 =	simm.s32 $0xE460;
	v5 =	vimm.s32 $0x9C40000;
	v3 =	vmul.u32 $0x2, v3;
	s1 =	simm.s32 $0x0;
	v2 =	vunpack.c.0.s8.s32 v2;
	[dreg:$0x10] =	wrdreg s0  }
.LBB2_1:
0xe: {  	[dreg:$0x12] =	wrdreg s1;
	s2 =	simm.s32 $0x40;
	s3 =	simm.s32 $0x0  }
.LBB2_2:
0xf: {  	p0 =	seq.s32 s2, $0x9FC0;
	[tilespmem:s3+$0xBC60] =	vst v0;
	s6 =	smov.u32 s2;
	s2 =	sadd.s32 $0x40, s2  }
.Ltmp0:
0x10: {  	[tilespmem:s3+$0xE460] =	vst v0;
	(pc) =	sbr.rel @!p0 .LBB2_2-.Ltmp0, $2  }
0x11: {  	_ =	sdelay $0x2  }
0x12: {  	s3 =	sshra.s32 s6, $0x2  }
0x13: {  	[tilespmem:s3+$0xBC60] =	vst v0;
	s19 =	simm.s32 $0x0;
	s20 =	simm.s32 $0x0  }
0x14: {  	[tilespmem:s3+$0xE460] =	vst v0;
	s21 =	simm.s32 $0x0;
	s26 =	simm.s32 $0x0;
	s3 =	simm.s32 $0x0  }
.LBB2_4:
0x15: {  	s2 =	smul.u32 $0x7D0, s3  }
0x16: {  	s0 =	rddreg [dreg:$0xc]  }
0x17: {  	[dreg:$0x13] =	wrdreg s3;
	s2 =	sadd.s32 s0, s2  }
0x18: {  	s25 =	rddreg [dreg:$0x0];
	s2 =	sshrl.u32 s2, $0x3  }
0x19: {  	s4 =	simm.s32 $0x0;
	s1 =	simm.s32 $0x1;
	s28 =	sadd.s32 s25, s2  }
0x1a: {  	[tilespmem:s4], [sflag:$0x1] =	stream.linear.gather [hbm4b:s28+s4], $0x7D0, $0x38;
	[tilespmem:$0x10C70] =	vst v63  }
0x1b: {  	_ =	swait.ge [sflag:s1], $0x7D0  }
0x1c: {  	[sflag:s1] =	ssyncset.done $0x0  }
0x1d: {  	[sflag:s1] =	ssyncadd.s32 $0xFFFFF830  }
0x1e: {  	s29 =	rddreg [dreg:$0x1]  }
0x1f: {  	s30 =	simm.s32 $0x7D0;
	s2 =	sadd.s32 s29, s2  }
0x20: {  	[tilespmem:s30], [sflag:$0x1] =	stream.linear.gather [hbm4b:s2+s4], $0x7D0, $0x38;
	[tilespmem:$0x10C70] =	vst v63  }
0x21: {  	_ =	swait.ge [sflag:s1], $0x7D0  }
0x22: {  	[sflag:s1] =	ssyncset.done $0x0  }
0x23: {  	s31 =	simm.s32 $0x0;
	[sflag:s1] =	ssyncadd.s32 $0xFFFFF830  }
0x24: {  	v6 =	vld [tilespmem:s31+$0x7D0];
	_ =	sdelay $0x4  }
0x25: {  	(v2sf) =	vpush v6, $0xA  }
0x26: {  	(v2sf) =	vpush v6, $0xE  }
0x27: {  	(v2sf) =	vpush v6, $0xD  }
0x28: {  	(v2sf) =	vpush v6, $0xC;
	_ =	sdelay $0x1  }
0x29: {  	(v2sf) =	vpush v6, $0x7  }
0x2a: {  	(v2sf) =	vpush v6, $0x4;
	_ =	sdelay $0x2  }
0x2b: {  	(v2sf) =	vpush v6, $0x2  }
0x2c: {  	(v2sf) =	vpush v6, $0x1;
	_ =	sdelay $0x2  }
0x2d: {  	(v2sf) =	vpush v6, $0x0  }
0x2e: {  	(v2sf) =	vpush v6, $0x8  }
0x2f: {  	s3 =	spop (v2sf)  }
0x30: {  	s6 =	spop (v2sf);
	s1 =	smulhi.u32 $0x68DB8BAD, s3  }
0x31: {  	s7 =	spop (v2sf);
	s28 =	smulhi.u32 $0x68DB8BAD, s6  }
0x32: {  	(v2sf) =	vpush v6, $0x5;
	s9 =	spop (v2sf);
	s11 =	smulhi.u32 $0x68DB8BAD, s7  }
0x33: {  	(v2sf) =	vpush v6, $0x9;
	s10 =	smulhi.u32 $0x68DB8BAD, s9;
	s9 =	sshra.s32 s9, $0x1F  }
0x34: {  	s15 =	spop (v2sf);
	s9 =	smul.u32 $0x68DB8BAD, s9  }
0x35: {  	(v2sf) =	vpush v6, $0x3;
	s6 =	sshra.s32 s6, $0x1F;
	s13 =	spop (v2sf);
	s4 =	smulhi.u32 $0x68DB8BAD, s15  }
0x36: {  	[dreg:$0x16] =	wrdreg s11;
	s11 =	smul.u32 $0x68DB8BAD, s6  }
0x37: {  	(v2sf) =	vpush v6, $0x6;
	s15 =	sshra.s32 s15, $0x1F;
	s29 =	smulhi.u32 $0x68DB8BAD, s13  }
0x38: {  	s6 =	sshra.s32 s3, $0x1F;
	s25 =	spop (v2sf);
	s15 =	smul.u32 $0x68DB8BAD, s15  }
0x39: {  	s6 =	smul.u32 $0x68DB8BAD, s6;
	s16 =	spop (v2sf)  }
0x3a: {  	s2 =	sshra.s32 s25, $0x1F;
	s30 =	smulhi.u32 $0x68DB8BAD, s16  }
0x3b: {  	[dreg:$0x15] =	wrdreg s1;
	(v2sf) =	vpush v6, $0xF;
	s16 =	sshra.s32 s16, $0x1F;
	s0 =	smul.u32 $0x68DB8BAD, s2  }
0x3c: {  	s31 =	spop (v2sf);
	s1 =	smul.u32 $0x68DB8BAD, s16  }
0x3d: {  	s8 =	sshra.s32 s31, $0x1F;
	s17 =	spop (v2sf);
	s31 =	smulhi.u32 $0x68DB8BAD, s31  }
0x3e: {  	s9 =	sadd.s32 s9, s10;
	s8 =	smul.u32 $0x68DB8BAD, s8;
	s5 =	sshra.s32 s17, $0x1F  }
0x3f: {  	s13 =	sshra.s32 s13, $0x1F;
	s24 =	sshrl.u32 s9, $0x1F;
	s12 =	smul.u32 $0x68DB8BAD, s5  }
0x40: {  	s16 =	sshra.s32 s7, $0x1F;
	s5 =	smulhi.u32 $0x68DB8BAD, s25;
	s25 =	sadd.s32 s15, s4  }
0x41: {  	s8 =	sadd.s32 s8, s31;
	s31 =	smulhi.u32 $0x68DB8BAD, s17;
	s22 =	spop (v2sf)  }
0x42: {  	s1 =	sadd.s32 s1, s30;
	s10 =	spop (v2sf);
	s15 =	smulhi.u32 $0x68DB8BAD, s22  }
0x43: {  	s0 =	sadd.s32 s0, s5;
	s5 =	sshra.s32 s22, $0x1F;
	s23 =	smulhi.u32 $0x68DB8BAD, s10  }
0x44: {  	s17 =	sshra.s32 s8, $0xA;
	s7 =	spop (v2sf);
	s5 =	smul.u32 $0x68DB8BAD, s5  }
0x45: {  	(v2sf) =	vpush v6, $0xB;
	s22 =	sshra.s32 s25, $0x1F;
	s10 =	sshra.s32 s10, $0x1F;
	s2 =	smulhi.u32 $0x68DB8BAD, s7  }
0x46: {  	s12 =	sadd.s32 s12, s31;
	v7 =	vmov s22;
	s4 =	spop (v2sf);
	s10 =	smul.u32 $0x68DB8BAD, s10  }
0x47: {  	s7 =	sshra.s32 s7, $0x1F;
	v7 =	vsel vm3, s17, v7;
	s17 =	sshrl.u32 s0, $0x1F;
	s30 =	smulhi.u32 $0x68DB8BAD, s4  }
0x48: {  	s3 =	sadd.s32 s5, s15;
	s5 =	sshrl.u32 s1, $0x1F;
	s4 =	sshra.s32 s4, $0x1F  }
0x49: {  	s15 =	smul.u32 $0x68DB8BAD, s13;
	s13 =	sshra.s32 s9, $0xA;
	s9 =	sshra.s32 s8, $0x1F  }
0x4a: {  	s31 =	spop (v2sf);
	s8 =	sshrl.u32 s8, $0x1F;
	s4 =	smul.u32 $0x68DB8BAD, s4  }
0x4b: {  	s10 =	sadd.s32 s10, s23;
	s23 =	sshra.s32 s1, $0x1F;
	s22 =	smulhi.u32 $0x68DB8BAD, s31  }
0x4c: {  	s1 =	sshra.s32 s1, $0xA;
	s15 =	sadd.s32 s15, s29;
	s29 =	smul.u32 $0x68DB8BAD, s7  }
0x4d: {  	v7 =	vsel vm9, s9, v7;
	s7 =	sadd.s32 s11, s28;
	s11 =	sshra.s32 s0, $0xA;
	s28 =	sshra.s32 s31, $0x1F  }
0x4e: {  	s0 =	sshra.s32 s0, $0x1F;
	v7 =	vsel vm0, s1, v7;
	s1 =	smul.u32 $0x68DB8BAD, s16;
	s16 =	sshra.s32 s12, $0xA  }
0x4f: {  	v8 =	vmov s8;
	s9 =	sadd.s32 s4, s30;
	s8 =	sshra.s32 s15, $0xA;
	v7 =	vsel vm10, s23, v7;
	s23 =	smul.u32 $0x68DB8BAD, s28  }
0x50: {  	v8 =	vnsel vm3, $0x0, v8;
	s28 =	sshrl.u32 s12, $0x1F;
	s2 =	sadd.s32 s29, s2;
	v7 =	vsel vm1, s11, v7;
	s11 =	rddreg [dreg:$0x15]  }
0x51: {  	v9 =	vmov s13;
	v8 =	vsel vm0, s5, v8;
	s29 =	sshrl.u32 s10, $0x1F;
	s5 =	sadd.s32 s6, s11;
	s13 =	sshra.s32 s2, $0xA  }
0x52: {  	v10 =	vmov s24;
	v8 =	vsel vm1, s17, v8;
	v11 =	vmov s28;
	s6 =	sadd.s32 s23, s22;
	s17 =	sshra.s32 s2, $0x1F;
	s22 =	sshra.s32 s10, $0xA  }
0x53: {  	v12 =	vmov s16;
	v7 =	vsel vm11, s0, v7;
	v11 =	vsel vm0, s29, v11;
	s24 =	sshrl.u32 s2, $0x1F;
	s29 =	sshra.s32 s15, $0x1F;
	s23 =	sshrl.u32 s5, $0x1F  }
0x54: {  	v7 =	vsel vm2, s13, v7;
	v12 =	vsel vm0, s22, v12;
	s28 =	sshra.s32 s5, $0xA;
	s22 =	sshrl.u32 s15, $0x1F;
	s4 =	spop (v2sf)  }
0x55: {  	v8 =	vsel vm2, s24, v8;
	s24 =	sshrl.u32 s3, $0x1F;
	v7 =	vsel vm12, s17, v7;
	s31 =	sshra.s32 s4, $0x1F;
	s4 =	smulhi.u32 $0x68DB8BAD, s4  }
0x56: {  	v12 =	vsel vm1, s28, v12;
	v8 =	vsel vm4, s22, v8;
	s28 =	sshrl.u32 s9, $0x1F;
	v7 =	vsel vm4, s8, v7;
	s30 =	smul.u32 $0x68DB8BAD, s31;
	s31 =	rddreg [dreg:$0x16]  }
0x57: {  	s8 =	sshra.s32 s3, $0x1F;
	v8 =	vsel vm5, s24, v8;
	v7 =	vsel vm13, s29, v7;
	s0 =	sadd.s32 s1, s31;
	s31 =	sshra.s32 s3, $0xA  }
0x58: {  	v11 =	vsel vm1, s23, v11;
	v8 =	vsel vm6, s28, v8;
	s4 =	sadd.s32 s30, s4;
	s30 =	sshrl.u32 s0, $0x1F;
	s0 =	sshra.s32 s0, $0xA;
	v7 =	vsel vm5, s31, v7  }
0x59: {  	s12 =	sshra.s32 s7, $0xA;
	v10 =	vsel vm0, s30, v10;
	s5 =	sshra.s32 s4, $0xA;
	v9 =	vsel vm0, s0, v9;
	s10 =	sshrl.u32 s4, $0x1F;
	v7 =	vsel vm14, s8, v7  }
0x5a: {  	s11 =	sshrl.u32 s7, $0x1F;
	s13 =	sshra.s32 s9, $0xA;
	s30 =	sshrl.u32 s25, $0x1F;
	v12 =	vsel vm2, s5, v12;
	v11 =	vsel vm2, s10, v11;
	v9 =	vsel vm1, s12, v9  }
0x5b: {  	s16 =	sshra.s32 s6, $0xA;
	s17 =	sshra.s32 s9, $0x1F;
	s23 =	sshrl.u32 s6, $0x1F;
	v7 =	vsel vm6, s13, v7;
	v10 =	vsel vm1, s11, v10;
	v8 =	vsel vm7, s30, v8  }
0x5c: {  	s29 =	sshra.s32 s25, $0xA;
	v9 =	vsel vm2, s16, v9;
	v7 =	vsel vm15, s17, v7;
	v10 =	vsel vm2, s23, v10  }
0x5d: {  	v9 =	vcombine.low v12, v9;
	v7 =	vsel vm7, s29, v7;
	v10 =	vcombine.low v11, v10  }
0x5e: {  	v8 =	vperm.xlane v8, v3;
	v7 =	vperm.xlane v7, v3  }
0x5f: {  	v9 =	vperm.xlane v9, v2;
	v10 =	vperm.xlane v10, v2;
	_ =	sdelay $0x1  }
0x60: {  	v8 =	vsel vm8, v8, v10;
	v7 =	vsel vm8, v7, v9  }
0x61: {  	v9 =	vadd.s32 v8, v7  }
0x62: {  	vm11 =	vmmov vm9;
	v10 =	vmul.u32 $0xFFFFF63C, v9  }
0x63: {  	vm9 =	vlt.s32 v6, $0x1;
	vm13 =	vmmov vm12;
	s31 =	simm.s32 $0x0;
	v11 =	vsub.s32 $0x0, v6  }
0x64: {  	vm12 =	vmmov vm10;
	s1 =	simm.s32 $0x40;
	v8 =	vld [tilespmem:s31+$0x0];
	v7 =	vshll.u32 v6, $0xE;
	vm10 =	vne.s32 v10, v11  }
.LBB2_5:
0x65: {  	_ =	sdelay $0x4  }
0x66: {  	vm9 =	vmand vm9, vm10  }
0x67: {  	v10 =	vsel vm9, $0xFFFFFFFF, v4  }
0x68: {  	v9 =	vadd.s32 v10, v9;
	[tilespmem:v8+s14+$0x0] =	vst.idx.add.f32.msk $0xffff, v1  }
0x69: {  	vm9 =	veq.s32 v9, $0x0;
	[tilespmem:v6+s18+$0x0] =	vst.idx.add.f32.msk $0xffff, v1;
	v6 =	vor.u32 v8, v7  }
0x6a: {  	v7 =	vsel vm9, $0x1, v4;
	[tilespmem:s26+$0xFA0] =	vst.msk vm9, v6;
	vm9 =	veq.s32 v9, $0x1  }
0x6b: {  	(xrf0) =	vadd.scan.msk.s32 $0xffff, v7;
	[tilespmem:s21+$0x3AD0] =	vst.msk vm9, v6;
	v8 =	vsel vm9, $0x1, v4;
	vm9 =	veq.s32 v9, $0x2  }
0x6c: {  	s0 =	smov.u32 s1;
	[tilespmem:s20+$0x6600] =	vst.msk vm9, v6;
	v7 =	vsel vm9, $0x1, v4;
	vm9 =	veq.s32 v9, $0x3  }
0x6d: {  	s0 =	sshra.s32 s0, $0x2;
	[tilespmem:s19+$0x9130] =	vst.msk vm9, v6  }
0x6e: {  	v6 =	vld [tilespmem:s0+$0x7D0];
	_ =	sdelay $0x1  }
0x6f: {  	(xrf0) =	vadd.scan.msk.s32 $0xffff, v8  }
0x70: {  	(xrf0) =	vadd.scan.msk.s32 $0xffff, v7;
	v7, _, _ =	vpop (xrf0)  }
0x71: {  	(v2sf) =	vpush v7, $0xF  }
0x72: {  	(v2sf) =	vpush v6, $0xA  }
0x73: {  	(v2sf) =	vpush v6, $0xE  }
0x74: {  	(v2sf) =	vpush v6, $0xD;
	_ =	sdelay $0x1  }
0x75: {  	(v2sf) =	vpush v6, $0xC;
	_ =	sdelay $0x1  }
0x76: {  	(v2sf) =	vpush v6, $0x7  }
0x77: {  	(v2sf) =	vpush v6, $0x4;
	_ =	sdelay $0x1  }
0x78: {  	(v2sf) =	vpush v6, $0x2  }
0x79: {  	(v2sf) =	vpush v6, $0x1;
	_ =	sdelay $0x2  }
0x7a: {  	v8 =	vsel vm9, $0x1, v4;
	(v2sf) =	vpush v6, $0x0  }
0x7b: {  	[dreg:$0x14] =	wrdreg s26;
	s16 =	sadd.s32 $0x40, s1;
	s17 =	spop (v2sf)  }
0x7c: {  	p0 =	sne.s32 s1, $0x1F00;
	[dreg:$0x6] =	wrdreg s16;
	(xrf0) =	vadd.scan.msk.s32 $0xffff, v8;
	(v2sf) =	vpush v6, $0x8;
	s1 =	spop (v2sf)  }
0x7d: {  	v8, _, _ =	vpop (xrf0);
	s18 =	spop (v2sf);
	s2 =	smulhi.u32 $0x68DB8BAD, s1  }
0x7e: {  	v9, _, _ =	vpop (xrf0);
	(v2sf) =	vpush v6, $0x5;
	s4 =	spop (v2sf);
	s3 =	smulhi.u32 $0x68DB8BAD, s18  }
0x7f: {  	[dreg:$0x7] =	wrdreg s0;
	(v2sf) =	vpush v9, $0xF;
	s0 =	sshra.s32 s18, $0x1F;
	s30 =	smulhi.u32 $0x68DB8BAD, s4  }
0x80: {  	s22 =	spop (v2sf);
	s0 =	smul.u32 $0x68DB8BAD, s0  }
0x81: {  	[dreg:$0x8] =	wrdreg s2;
	s5 =	smulhi.u32 $0x68DB8BAD, s22;
	s2 =	sshra.s32 s22, $0x1F  }
0x82: {  	v10, _, _ =	vpop (xrf0);
	s6 =	spop (v2sf);
	s2 =	smul.u32 $0x68DB8BAD, s2  }
0x83: {  	(v2sf) =	vpush v10, $0xF;
	s8 =	spop (v2sf);
	s12 =	smulhi.u32 $0x68DB8BAD, s6  }
0x84: {  	(v2sf) =	vpush v6, $0x9;
	[dreg:$0xb] =	wrdreg s3;
	s10 =	sshra.s32 s6, $0x1F;
	s16 =	smulhi.u32 $0x68DB8BAD, s8  }
0x85: {  	s9 =	spop (v2sf);
	s10 =	smul.u32 $0x68DB8BAD, s10;
	s8 =	sshra.s32 s8, $0x1F  }
0x86: {  	s28 =	sadd.s32 s26, s17;
	s23 =	spop (v2sf);
	s8 =	smul.u32 $0x68DB8BAD, s8  }
0x87: {  	s31 =	sadd.s32 s2, s5;
	s24 =	sshra.s32 s9, $0x1F;
	s5 =	smulhi.u32 $0x68DB8BAD, s23  }
0x88: {  	(v2sf) =	vpush v8, $0xF;
	s15 =	sshra.s32 s4, $0x1F;
	[dreg:$0x9] =	wrdreg s30;
	s14 =	smul.u32 $0x68DB8BAD, s24  }
0x89: {  	(v2sf) =	vpush v6, $0x3;
	s11 =	spop (v2sf);
	s2 =	sshra.s32 s23, $0x1F;
	s24 =	smulhi.u32 $0x68DB8BAD, s9  }
0x8a: {  	(v2sf) =	vpush v6, $0x6;
	s25 =	sshrl.u32 s31, $0x1F;
	s9 =	sshra.s32 s1, $0x1F;
	s23 =	smul.u32 $0x68DB8BAD, s2  }
0x8b: {  	s7 =	sshra.s32 s11, $0x1F;
	s6 =	spop (v2sf);
	s11 =	smulhi.u32 $0x68DB8BAD, s11  }
0x8c: {  	[dreg:$0xa] =	wrdreg s25;
	s16 =	sadd.s32 s8, s16;
	s9 =	smul.u32 $0x68DB8BAD, s9  }
0x8d: {  	s17 =	smul.u32 $0x68DB8BAD, s7;
	s22 =	sshra.s32 s6, $0x1F;
	s13 =	spop (v2sf)  }
0x8e: {  	(v2sf) =	vpush v6, $0xF;
	s14 =	sadd.s32 s14, s24;
	s6 =	smulhi.u32 $0x68DB8BAD, s6;
	s29 =	spop (v2sf)  }
0x8f: {  	s7 =	smul.u32 $0x68DB8BAD, s22;
	s4 =	sshra.s32 s13, $0x1F;
	s5 =	sadd.s32 s23, s5  }
0x90: {  	s23 =	sshra.s32 s31, $0xA;
	s13 =	smulhi.u32 $0x68DB8BAD, s13;
	s24 =	sshra.s32 s14, $0xA  }
0x91: {  	s26 =	sadd.s32 s20, s29;
	s20 =	sshrl.u32 s5, $0x1F;
	s11 =	sadd.s32 s17, s11  }
0x92: {  	s4 =	smul.u32 $0x68DB8BAD, s4;
	s2 =	spop (v2sf);
	s17 =	sshra.s32 s11, $0xA  }
0x93: {  	s7 =	sadd.s32 s7, s6;
	s30 =	spop (v2sf);
	s29 =	sadd.s32 s19, s2  }
0x94: {  	s2 =	smov.u32 s26;
	s31 =	sadd.s32 s4, s13;
	s13 =	sshrl.u32 s14, $0x1F  }
0x95: {  	(v2sf) =	vpush v6, $0xB;
	s14 =	sshra.s32 s14, $0x1F;
	s1 =	sshra.s32 s30, $0x1F;
	s18 =	smulhi.u32 $0x68DB8BAD, s30  }
0x96: {  	s30 =	sadd.s32 s10, s12;
	s10 =	sshra.s32 s5, $0x1F;
	s1 =	smul.u32 $0x68DB8BAD, s1  }
0x97: {  	s5 =	sshra.s32 s5, $0xA;
	s25 =	sshra.s32 s30, $0x1F;
	s3 =	spop (v2sf)  }
0x98: {  	s19 =	spop (v2sf);
	s3 =	sadd.s32 s21, s3;
	s1 =	sadd.s32 s1, s18  }
0x99: {  	s22 =	sshra.s32 s19, $0x1F;
	s19 =	smulhi.u32 $0x68DB8BAD, s19;
	s21 =	spop (v2sf)  }
0x9a: {  	s18 =	sshrl.u32 s1, $0x1F;
	s12 =	smulhi.u32 $0x68DB8BAD, s21;
	s26 =	sshra.s32 s21, $0x1F  }
0x9b: {  	v8 =	vmov s25;
	s21 =	smul.u32 $0x68DB8BAD, s26;
	s26 =	sshra.s32 s11, $0x1F;
	s11 =	sshrl.u32 s11, $0x1F  }
0x9c: {  	v8 =	vsel vm3, s17, v8;
	s1 =	sshra.s32 s1, $0xA;
	v9 =	vmov s11;
	s11 =	smul.u32 $0x68DB8BAD, s22;
	s22 =	rddreg [dreg:$0xb]  }
0x9d: {  	v8 =	vsel vm11, s26, v8;
	s26 =	smov.u32 s28;
	s28 =	rddreg [dreg:$0xa];
	s25 =	spop (v2sf)  }
0x9e: {  	s0 =	sadd.s32 s0, s22;
	s6 =	sadd.s32 s21, s12;
	s21 =	smov.u32 s3  }
0x9f: {  	s12 =	sshrl.u32 s7, $0x1F;
	s3 =	sshrl.u32 s30, $0x1F;
	s7 =	sshra.s32 s7, $0xA  }
0xa0: {  	v9 =	vnsel vm3, $0x0, v9;
	s4 =	sshra.s32 s25, $0x1F;
	s8 =	smulhi.u32 $0x68DB8BAD, s25;
	s11 =	sadd.s32 s11, s19  }
0xa1: {  	v8 =	vsel vm0, s5, v8;
	v9 =	vsel vm0, s20, v9;
	s25 =	smul.u32 $0x68DB8BAD, s15;
	s15 =	sshrl.u32 s0, $0x1F;
	s0 =	sshra.s32 s0, $0xA  }
0xa2: {  	v12 =	vmov s7;
	v8 =	vsel vm12, s10, v8;
	s10 =	rddreg [dreg:$0x8];
	s19 =	smov.u32 s29;
	v9 =	vsel vm1, s13, v9;
	s13 =	sshra.s32 s16, $0xA  }
0xa3: {  	s4 =	smul.u32 $0x68DB8BAD, s4;
	v12 =	vsel vm0, s1, v12;
	v8 =	vsel vm1, s24, v8;
	s1 =	sadd.s32 s9, s10;
	s24 =	rddreg [dreg:$0x9]  }
0xa4: {  	vm9 =	vcmask $0x1714;
	v10 =	vmov s23;
	v13 =	vmov s12;
	s5 =	sadd.s32 s25, s24;
	s29 =	sshrl.u32 s1, $0x1F;
	s17 =	spop (v2sf)  }
0xa5: {  	v11 =	vmov s28;
	v13 =	vsel vm0, s18, v13;
	v8 =	vsel vm9, s14, v8;
	s1 =	sshra.s32 s1, $0xA;
	s10 =	sshrl.u32 s5, $0x1F;
	s23 =	sshra.s32 s17, $0x1F  }
0xa6: {  	vm9 =	vcmask $0x2724;
	v13 =	vsel vm1, s29, v13;
	v12 =	vsel vm1, s1, v12;
	s5 =	sshra.s32 s5, $0xA;
	s22 =	smul.u32 $0x68DB8BAD, s23;
	s23 =	sshra.s32 s11, $0xA  }
0xa7: {  	s28 =	sshra.s32 s11, $0x1F;
	v11 =	vsel vm0, s10, v11;
	v10 =	vsel vm0, s5, v10;
	s25 =	smulhi.u32 $0x68DB8BAD, s17;
	s11 =	sshrl.u32 s11, $0x1F;
	v8 =	vsel vm2, s23, v8  }
0xa8: {  	s9 =	sshra.s32 s16, $0x1F;
	s4 =	sadd.s32 s4, s8;
	s29 =	sshrl.u32 s16, $0x1F;
	v10 =	vsel vm1, s0, v10;
	v9 =	vsel vm2, s11, v9;
	v8 =	vsel vm13, s28, v8  }
0xa9: {  	v11 =	vsel vm1, s15, v11;
	s23 =	sshrl.u32 s4, $0x1F;
	s7 =	sadd.s32 s22, s25;
	s25 =	sshra.s32 s4, $0xA;
	v9 =	vsel vm4, s29, v9;
	v8 =	vsel vm4, s13, v8  }
0xaa: {  	s12 =	sshra.s32 s31, $0xA;
	v11 =	vsel vm2, s23, v11;
	s17 =	sshra.s32 s7, $0xA;
	s7 =	sshrl.u32 s7, $0x1F;
	v10 =	vsel vm2, s25, v10;
	v8 =	vsel vm9, s9, v8  }
0xab: {  	s22 =	sshra.s32 s31, $0x1F;
	s13 =	sshra.s32 s30, $0xA;
	s30 =	sshrl.u32 s31, $0x1F;
	v12 =	vsel vm2, s17, v12;
	v13 =	vsel vm2, s7, v13;
	v8 =	vsel vm5, s12, v8  }
0xac: {  	s20 =	smov.u32 s2;
	s2 =	sshrl.u32 s6, $0x1F;
	s24 =	sshra.s32 s6, $0xA;
	v9 =	vsel vm5, s30, v9;
	v10 =	vcombine.low v12, v10;
	v8 =	vsel vm14, s22, v8  }
0xad: {  	s28 =	sshra.s32 s6, $0x1F;
	v11 =	vcombine.low v13, v11;
	v9 =	vsel vm6, s2, v9;
	v8 =	vsel vm6, s24, v8  }
0xae: {  	v9 =	vsel vm7, s3, v9;
	v8 =	vsel vm15, s28, v8  }
0xaf: {  	v10 =	vperm.xlane v10, v2;
	v11 =	vperm.xlane v11, v2;
	v8 =	vsel vm7, s13, v8  }
0xb0: {  	v9 =	vperm.xlane v9, v3;
	v63 =	vperm.xlane v8, v3;
	_ =	sdelay $0x1  }
.Ltmp1:
0xb1: {  	v9 =	vsel vm8, v9, v11;
	v10 =	vsel vm8, v63, v10;
	(pc) =	sbr.rel @p0 .LBB2_5-.Ltmp1, $4  }
0xb2: {  	v9 =	vadd.s32 v9, v10  }
0xb3: {  	v10 =	vmul.u32 $0xFFFFF63C, v9  }
0xb4: {  	s31 =	rddreg [dreg:$0x7];
	v11 =	vsub.s32 $0x0, v6  }
0xb5: {  	v7 =	vshll.u32 v6, $0xE;
	s18 =	simm.s32 $0xE460;
	s14 =	simm.s32 $0xBC60;
	s1 =	rddreg [dreg:$0x6];
	vm9 =	vlt.s32 v6, $0x1;
	v8 =	vld [tilespmem:s31+$0x0];
	vm10 =	vne.s32 v10, v11  }
0xb6: {  	vm9 =	vmand vm9, vm10  }
0xb7: {  	v10 =	vsel vm9, $0xFFFFFFFF, v4  }
0xb8: {  	v9 =	vadd.s32 v10, v9  }
0xb9: {  	v54 =	vimm.s32 $0x0;
	vm9 =	veq.s32 v9, $0x0  }
0xba: {  	v10 =	vsel vm9, $0xFFFFFFFF, v54;
	v55 =	vsel vm9, $0x1, v4;
	vm9 =	veq.s32 v9, $0x1  }
0xbb: {  	v11 =	vimm.s32 $0x0;
	vm10 =	veq.s32 v9, $0x2;
	(xrf0) =	vadd.scan.msk.s32 $0xffff, v55;
	v56 =	vsel vm9, $0x1, v4  }
0xbc: {  	v58 =	vsel vm10, $0x1, v4;
	v11 =	vsel vm9, $0xFFFFFFFF, v11;
	vm9 =	veq.s32 v9, $0x3;
	(xrf0) =	vadd.scan.msk.s32 $0xffff, v56  }
0xbd: {  	v59 =	vsel vm9, $0x1, v4;
	(xrf0) =	vadd.scan.msk.s32 $0xffff, v58  }
0xbe: {  	(xrf0) =	vadd.scan.msk.s32 $0xffff, v59;
	_ =	sdelay $0x2  }
0xbf: {  	v60, _, _ =	vpop (xrf0)  }
0xc0: {  	[tilespmem:v8+s14+$0x0] =	vst.idx.add.f32.msk $0xffff, v1;
	v61, _, _ =	vpop (xrf0)  }
0xc1: {  	[tilespmem:$0x1FFD0] =	vst v10;
	(v2sf) =	vpush v60, $0xF;
	v62, _, _ =	vpop (xrf0)  }
0xc2: {  	[tilespmem:v6+s18+$0x0] =	vst.idx.add.f32.msk $0xffff, v1;
	(v2sf) =	vpush v62, $0xF;
	v63, _, _ =	vpop (xrf0)  }
0xc3: {  	v6 =	vor.u32 v8, v7;
	v7 =	vld [tilespmem:$0x1FFD0];
	(v2sf) =	vpush v63, $0xF  }
0xc4: {  	(v2sf) =	vpush v61, $0xF;
	_ =	sdelay $0x2  }
0xc5: {  	v57 =	vimm.s32 $0x0;
	[tilespmem:$0x1FFE0] =	vst v11  }
0xc6: {  	v11 =	vsel vm10, $0xFFFFFFFF, v57;
	vm10 =	vnez.u8 v7;
	v7 =	vld [tilespmem:$0x1FFE0];
	_ =	sdelay $0x3  }
0xc7: {  	[tilespmem:$0x1FFF0] =	vst v11  }
0xc8: {  	s3 =	rddreg [dreg:$0x13];
	[tilespmem:s26+$0xFA0] =	vst.msk vm10, v6;
	vm10 =	vnez.u8 v7;
	v7 =	vld [tilespmem:$0x1FFF0]  }
0xc9: {  	s3 =	sadd.s32 $0x1, s3  }
0xca: {  	p0 =	seq.s32 s3, $0x5  }
.Ltmp2:
0xcb: {  	s2 =	spop (v2sf);
	(pc) =	sbr.rel @!p0 .LBB2_4-.Ltmp2, $4  }
0xcc: {  	s0 =	spop (v2sf)  }
0xcd: {  	[tilespmem:s21+$0x3AD0] =	vst.msk vm10, v6;
	vm10 =	vnez.u8 v7;
	s1 =	spop (v2sf)  }
0xce: {  	s4 =	rddreg [dreg:$0x14];
	[tilespmem:s20+$0x6600] =	vst.msk vm10, v6;
	vm10 =	vmmov vm12;
	vm12 =	vmmov vm13;
	s26 =	sadd.s32 s26, s2;
	s31 =	spop (v2sf)  }
0xcf: {  	vm13 =	vcmask $0x2724;
	[tilespmem:s19+$0x9130] =	vst.msk vm9, v6;
	vm9 =	vmmov vm11;
	vm11 =	vcmask $0x1714;
	s20 =	sadd.s32 s20, s0;
	s19 =	sadd.s32 s19, s1;
	s21 =	sadd.s32 s21, s31  }
0xd0: {  	s2 =	sshll.u32 s2, $0x2;
	s3 =	sshll.u32 s4, $0x2  }
0xd1: {  	s2 =	sadd.s32 s3, s2  }
0xd2: {  	s2 =	sshra.s32 s2, $0x2  }
0xd3: {  	s2 =	sadd.s32 $0xFA0, s2  }
0xd4: {  	v6 =	vmov s2;
	_ =	sdelay $0x3  }
0xd5: {  	s3 =	simm.s32 $0x0;
	s2 =	simm.s32 $0x40  }
.LBB2_8:
0xd6: {  	p0 =	seq.s32 s2, $0x1040;
	[tilespmem:v6+s3+$0x0 ss:$0x1] =	vst.idx.msk $0xffff, v5;
	s0 =	smov.u32 s2;
	s2 =	sadd.s32 $0x40, s2  }
.Ltmp3:
0xd7: {  	(pc) =	sbr.rel @!p0 .LBB2_8-.Ltmp3, $2  }
0xd8: {  	_ =	sdelay $0x2  }
0xd9: {  	s3 =	sshra.s32 s0, $0x2  }
0xda: {  	_ =	sdelay $0x1  }
0xdb: {  	s0 =	sand.u32 $0x7, s21  }
0xdc: {  	s0 =	sor.u32 $0xFA0, s0  }
0xdd: {  	[tilespmem:v6+s3+$0x0 ss:$0x1] =	vst.idx.msk $0xffff, v5;
	v6 =	vmov s0;
	_ =	sdelay $0x1  }
0xde: {  	s2 =	sadd.s32 $0x2B30, s21  }
0xdf: {  	s31 =	sadd.s32 $0x0, s2  }
0xe0: {  	s3 =	simm.s32 $0x10;
	s6 =	sand.u32 $0xFFFFFFF8, s31  }
.LBB2_10:
0xe1: {  	p0 =	seq.s32 s3, $0x410;
	[tilespmem:v6+s6+$0x0 ss:$0x1] =	vst.idx.msk $0xffff, v5;
	s0 =	smov.u32 s3;
	s3 =	sadd.s32 $0x10, s3  }
.Ltmp4:
0xe2: {  	(pc) =	sbr.rel @!p0 .LBB2_10-.Ltmp4, $3  }
0xe3: {  	_ =	sdelay $0x1  }
0xe4: {  	s0 =	sadd.s32 s0, s2  }
0xe5: {  	s6 =	sand.u32 $0xFFFFFFF8, s0  }
0xe6: {  	_ =	sdelay $0x1  }
0xe7: {  	s0 =	sand.u32 $0x7, s20  }
0xe8: {  	s0 =	sor.u32 $0xFA0, s0  }
0xe9: {  	[tilespmem:v6+s6+$0x0 ss:$0x1] =	vst.idx.msk $0xffff, v5;
	v6 =	vmov s0;
	_ =	sdelay $0x1  }
0xea: {  	s2 =	sadd.s32 $0x5660, s20  }
0xeb: {  	s31 =	sadd.s32 $0x0, s2  }
0xec: {  	s3 =	simm.s32 $0x10;
	s6 =	sand.u32 $0xFFFFFFF8, s31  }
.LBB2_12:
0xed: {  	p0 =	seq.s32 s3, $0x410;
	[tilespmem:v6+s6+$0x0 ss:$0x1] =	vst.idx.msk $0xffff, v5;
	s0 =	smov.u32 s3;
	s3 =	sadd.s32 $0x10, s3  }
.Ltmp5:
0xee: {  	(pc) =	sbr.rel @!p0 .LBB2_12-.Ltmp5, $3  }
0xef: {  	_ =	sdelay $0x1  }
0xf0: {  	s0 =	sadd.s32 s0, s2  }
0xf1: {  	s6 =	sand.u32 $0xFFFFFFF8, s0  }
0xf2: {  	_ =	sdelay $0x1  }
0xf3: {  	s0 =	sand.u32 $0x7, s19  }
0xf4: {  	s0 =	sor.u32 $0xFA0, s0  }
0xf5: {  	[tilespmem:v6+s6+$0x0 ss:$0x1] =	vst.idx.msk $0xffff, v5;
	v6 =	vmov s0;
	_ =	sdelay $0x1  }
0xf6: {  	s2 =	sadd.s32 $0x8190, s19  }
0xf7: {  	s31 =	sadd.s32 $0x0, s2  }
0xf8: {  	s3 =	simm.s32 $0x10;
	s6 =	sand.u32 $0xFFFFFFF8, s31  }
.LBB2_14:
0xf9: {  	p0 =	sne.s32 s3, $0x410;
	[tilespmem:v6+s6+$0x0 ss:$0x1] =	vst.idx.msk $0xffff, v5;
	s0 =	smov.u32 s3;
	s3 =	sadd.s32 $0x10, s3  }
.Ltmp6:
0xfa: {  	(pc) =	sbr.rel @p0 .LBB2_14-.Ltmp6, $3  }
0xfb: {  	_ =	sdelay $0x1  }
0xfc: {  	s0 =	sadd.s32 s0, s2  }
0xfd: {  	s6 =	sand.u32 $0xFFFFFFF8, s0  }
0xfe: {  	v7 =	vmov s26  }
0xff: {  	v7 =	vnsel vm3, $0x0, v7  }
0x100: {  	v7 =	vsel vm9, s21, v7  }
0x101: {  	v7 =	vsel vm0, s20, v7  }
0x102: {  	[tilespmem:v6+s6+$0x0 ss:$0x1] =	vst.idx.msk $0xffff, v5;
	s0 =	simm.s32 $0x0;
	v6 =	vsel vm10, s19, v7  }
0x103: {  	s1 =	rddreg [dreg:$0xd];
	s2 =	simm.s32 $0x10C60;
	s25 =	simm.s32 $0x1;
	[tilespmem:$0x10C60] =	vst v6  }
0x104: {  	[hbm4b:s1+s0] =	stream.linear.scatter [tilespmem:s2], [sflag:$0x1], $0x10, $0x38;
	[tilespmem:$0x10C70] =	vst v63  }
0x105: {  	_ =	swait.ge [sflag:s25], $0x10  }
0x106: {  	[sflag:s25] =	ssyncset.done $0x0  }
0x107: {  	s3 =	simm.s32 $0xFA0;
	s26 =	rddreg [dreg:$0xe];
	[sflag:s25] =	ssyncadd.s32 $0xFFFFFFF0  }
0x108: {  	[hbm4b:s26+s0] =	stream.linear.scatter [tilespmem:s3], [sflag:$0x1], $0xACC0, $0x38;
	[tilespmem:$0x10C70] =	vst v63  }
0x109: {  	_ =	swait.ge [sflag:s25], $0xACC0  }
0x10a: {  	[sflag:s25] =	ssyncset.done $0x0  }
0x10b: {  	s28 =	rddreg [dreg:$0xf];
	[sflag:s25] =	ssyncadd.s32 $0xFFFF5340  }
0x10c: {  	[hbm4b:s28+s0] =	stream.linear.scatter [tilespmem:s14], [sflag:$0x1], $0x2800, $0x38;
	[tilespmem:$0x10C70] =	vst v63  }
0x10d: {  	_ =	swait.ge [sflag:s25], $0x2800  }
0x10e: {  	[sflag:s25] =	ssyncset.done $0x0  }
0x10f: {  	s29 =	rddreg [dreg:$0x10];
	[sflag:s25] =	ssyncadd.s32 $0xFFFFD800  }
0x110: {  	[hbm4b:s29+s0] =	stream.linear.scatter [tilespmem:s18], [sflag:$0x1], $0x2800, $0x38;
	[tilespmem:$0x10C70] =	vst v63  }
0x111: {  	_ =	swait.ge [sflag:s25], $0x2800  }
0x112: {  	s30 =	rddreg [dreg:$0x12]  }
0x113: {  	s31 =	rddreg [dreg:$0x11];
	s1 =	sadd.s32 $0x1, s30  }
0x114: {  	p0 =	sne.s32 s1, s31  }
.Ltmp7:
0x115: {  	_ = 	snop;
	(pc) =	sbr.rel @p0 .LBB2_1-.Ltmp7, $3  }
0x116: {  	_ =	sdelay $0x1  }
0x117: {  	[sflag:s25] =	ssyncset.done $0x0  }
0x118: {  	[sflag:s25] =	ssyncadd.s32 $0xFFFFD800  }
0x119: {  	_ =	sfence.sel $0x180000  }
0x11a: {  	[bflag:$0x0] =	sbarrier.arrive $0xFFFF  }
0x11b: {  	_ =	strace $0x90000047  }
0x11c: {  	s0 =	stileid.u32;
	[bflag:$0x2] =	sbarrier.arrive $0xFFFF  }
0x11d: {  	p0 =	sne.s32 s0, $0x0;
	s0 =	rddreg [dreg:$0x5]  }
0x11e: {  	s0 =	sadd.s32 @!p0 $0x100000, s0  }
0x11f: {  	[sflag:s0] =	ssyncadd.tile.s32 @!p0 $0x1;
	_ =	shalt  }
.Lfunc_end2:
_tile_overlayer_lowered:
.L_overlay_start_2:
0x120: {  	(tag) =	ssettag $0x2  }
0x121: {  	s0 =	rddreg [dreg:$0x0];
	s2 =	stileid.u32  }
0x122: {  	s1 =	rddreg [dreg:$0x1];
	p0 =	sne.s32 s2, $0x0  }
0x123: {  	s3 =	rddreg [dreg:$0x2];
	[bflag:$0x3] =	sbarrier.arrive $0xFFFF;
	s2 =	simm.s32 @!p0 $0x1C01  }
0x124: {  	[timem:s3], [sflag:s2] =	dma.local @!p0 [hbm:s0], s1  }
0x125: {  	s0 =	simm.s32 @!p0 $0x1  }
0x126: {  	_ =	swait.ge @!p0 [sflag:s0], s1  }
0x127: {  	s1 =	ssub.s32 @!p0 $0x0, s1;
	[sflag:s0] =	ssyncset.done @!p0 $0x0  }
0x128: {  	[sflag:s0] =	ssyncadd.s32 @!p0 s1  }
0x129: {  	[bflag:$0x3] =	sbarrier.arrive $0xFFFF  }
0x12a: {  	_ =	shalt  }

</sc_bundles>
